<compile_context>
chip_gen: v7x
topology: tpu7x:2x2x1
jax: 0.10.2.dev20260603
libtpu: 0.0.44.dev20260713+nightly
codegen_flags: <defaults>
</compile_context>

<pallas_src>
import functools

import jax
import jax.numpy as jnp
from jax import lax
from jax.experimental import pallas as pl
from jax.experimental.pallas import tpu as pltpu
from jax.experimental.pallas import tpu_sc as plsc

N = 10000
E = 320000
D_IN = 128
H = 128
F_G = 16
B = 64
OUT = 2
EPS = 1e-5

NC = 2
NS = 16
NW = NC * NS
CHUNK = 80
EDGES_PER_TILE = E // NW
CHUNKS_PER_TILE = EDGES_PER_TILE // CHUNK
NB = 3
NITER = (CHUNKS_PER_TILE - 1) // NB
REM = CHUNKS_PER_TILE - NITER * NB
ROWS_PER_TILE = 624
TAIL_ROWS = N - NS * ROWS_PER_TILE
ZROWS = 208


def _segment_sum_sc(x, edges_flat, zeros):
    mesh = plsc.VectorSubcoreMesh(core_axis_name="c", subcore_axis_name="s")

    @functools.partial(
        pl.kernel,
        mesh=mesh,
        out_type=jax.ShapeDtypeStruct((NC, N, H), jnp.float32),
        scratch_types=[
            pltpu.VMEM_SHARED((N, H), jnp.float32),
            pltpu.VMEM((EDGES_PER_TILE,), jnp.int32),
        ]
        + [pltpu.VMEM((CHUNK,), jnp.int32)] * NB
        + [pltpu.VMEM((CHUNK, H), jnp.float32)] * NB
        + [pltpu.SemaphoreType.DMA] * (2 * NB + 1),
    )
    def seg_kernel(x_hbm, e_hbm, z_hbm, out_hbm, acc, src_blk, *ring):
        dstv = list(ring[:NB])
        rows = list(ring[NB:2 * NB])
        gsem = list(ring[2 * NB:3 * NB])
        ssem = list(ring[3 * NB:4 * NB])
        zsem = ring[4 * NB]
        c = lax.axis_index("c")
        s = lax.axis_index("s")
        wid = c * NS + s
        r0 = s * ROWS_PER_TILE
        base = wid * EDGES_PER_TILE
        dbase = E + base
        pltpu.sync_copy(e_hbm.at[pl.ds(base, EDGES_PER_TILE)], src_blk)

        def fire(j, b):
            pltpu.async_copy(
                e_hbm.at[pl.ds(dbase + j * CHUNK, CHUNK)], dstv[b], gsem[b])
            pltpu.async_copy(
                x_hbm.at[src_blk.at[pl.ds(j * CHUNK, CHUNK)]], rows[b],
                gsem[b])

        for b in range(NB):
            fire(b, b)
        for z in range(ROWS_PER_TILE // ZROWS):
            pltpu.async_copy(z_hbm, acc.at[pl.ds(r0 + z * ZROWS, ZROWS)],
                             zsem)

        @pl.when(s == NS - 1)
        def _zero_tail():
            pltpu.async_copy(z_hbm.at[pl.ds(0, TAIL_ROWS)],
                             acc.at[pl.ds(NS * ROWS_PER_TILE, TAIL_ROWS)],
                             zsem)

        for z in range(ROWS_PER_TILE // ZROWS):
            pltpu.make_async_copy(
                z_hbm, acc.at[pl.ds(r0 + z * ZROWS, ZROWS)], zsem).wait()

        @pl.when(s == NS - 1)
        def _zero_tail_wait():
            pltpu.make_async_copy(
                z_hbm.at[pl.ds(0, TAIL_ROWS)],
                acc.at[pl.ds(NS * ROWS_PER_TILE, TAIL_ROWS)], zsem).wait()

        plsc.subcore_barrier()

        def wait_fire(b):
            pltpu.make_async_copy(
                e_hbm.at[pl.ds(dbase, CHUNK)], dstv[b], gsem[b]).wait()
            pltpu.make_async_copy(
                x_hbm.at[src_blk.at[pl.ds(0, CHUNK)]], rows[b], gsem[b]).wait()

        def wait_scatter(b):
            pltpu.make_async_copy(rows[b], acc.at[dstv[b]], ssem[b]).wait()

        def group(t, carry):
            for b in range(NB):
                c = t * NB + b
                p = (b - 1) % NB
                wait_fire(b)
                if b == 0:
                    @pl.when(t > 0)
                    def _drain_refill():
                        wait_scatter(p)
                        fire(c - 1 + NB, p)
                else:
                    wait_scatter(p)
                    fire(c - 1 + NB, p)
                pltpu.async_copy(rows[b], acc.at[dstv[b]], ssem[b], add=True)
            return carry

        lax.fori_loop(0, NITER, group, 0)
        for r in range(REM):
            b = r % NB
            wait_fire(b)
            wait_scatter((b - 1) % NB)
            pltpu.async_copy(rows[b], acc.at[dstv[b]], ssem[b], add=True)
        wait_scatter((REM - 1) % NB)
        plsc.subcore_barrier()
        pltpu.sync_copy(
            acc.at[pl.ds(r0, ROWS_PER_TILE)],
            out_hbm.at[c, pl.ds(r0, ROWS_PER_TILE)])

        @pl.when(s == NS - 1)
        def _out_tail():
            pltpu.sync_copy(
                acc.at[pl.ds(NS * ROWS_PER_TILE, TAIL_ROWS)],
                out_hbm.at[c, pl.ds(NS * ROWS_PER_TILE, TAIL_ROWS)])

    return seg_kernel(x, edges_flat, zeros)


def _dense1_body(acc0, acc1, x, batch, features,
                 w1rel, b1rel, w1root, n1w, n1b,
                 m1w0, m1b0, m1ln0w, m1ln0b, m1w1, m1b1,
                 h_out, g_out):
    agg = acc0[...] + acc1[...]
    t = (jnp.dot(agg, w1rel[...], preferred_element_type=jnp.float32)
         + b1rel[...]
         + jnp.dot(x[...], w1root[...], preferred_element_type=jnp.float32))
    m = jnp.mean(t)
    d = t - m
    v = jnp.mean(d * d)
    h = jnp.maximum(d / jnp.sqrt(v + EPS) * n1w[...] + n1b[...], 0.0)
    h_out[...] = h

    bat = batch[...]
    rows = lax.broadcasted_iota(jnp.int32, (B, N), 0)
    onehot = (rows == bat).astype(jnp.float32)
    psum = jnp.dot(onehot, h, preferred_element_type=jnp.float32)
    cnt = jnp.sum(onehot, axis=1, keepdims=True)
    pooled = psum / jnp.maximum(cnt, 1.0)

    z0 = jnp.concatenate([pooled, features[...]], axis=1)
    z1 = (jnp.dot(z0, m1w0[...], preferred_element_type=jnp.float32)
          + m1b0[...])
    mu = jnp.mean(z1, axis=1, keepdims=True)
    dv = z1 - mu
    var = jnp.mean(dv * dv, axis=1, keepdims=True)
    z1 = jnp.maximum(dv / jnp.sqrt(var + EPS) * m1ln0w[...] + m1ln0b[...], 0.0)
    g_out[...] = (jnp.dot(z1, m1w1[...], preferred_element_type=jnp.float32)
                  + m1b1[...])


def _dense1(acc0, acc1, x, batch, features, w1rel, b1rel, w1root, n1w, n1b,
            m1w0, m1b0, m1ln0w, m1ln0b, m1w1, m1b1):
    return pl.pallas_call(
        _dense1_body,
        out_shape=[
            jax.ShapeDtypeStruct((N, H), jnp.float32),
            jax.ShapeDtypeStruct((B, 2 * H), jnp.float32),
        ],
    )(acc0, acc1, x, batch, features, w1rel, b1rel, w1root, n1w, n1b,
      m1w0, m1b0, m1ln0w, m1ln0b, m1w1, m1b1)


def _dense2_body(acc0, acc1, h, g, batch, features,
                 w2rel, b2rel, w2root, n2w, n2b,
                 m2w0, m2b0, m2ln0w, m2ln0b,
                 m2w1, m2b1, m2ln1w, m2ln1b,
                 m2w2, m2b2, m2ln2w, m2ln2b,
                 m2w3, m2b3, out):
    agg = acc0[...] + acc1[...]
    t = (jnp.dot(agg, w2rel[...], preferred_element_type=jnp.float32)
         + b2rel[...]
         + jnp.dot(h[...], w2root[...], preferred_element_type=jnp.float32))
    m = jnp.mean(t)
    d = t - m
    v = jnp.mean(d * d)
    h2 = jnp.maximum(d / jnp.sqrt(v + EPS) * n2w[...] + n2b[...], 0.0)

    bat = batch[...]
    rows = lax.broadcasted_iota(jnp.int32, (B, N), 0)
    onehot = (rows == bat).astype(jnp.float32)
    psum = jnp.dot(onehot, h2, preferred_element_type=jnp.float32)
    cnt = jnp.sum(onehot, axis=1, keepdims=True)
    pooled = psum / jnp.maximum(cnt, 1.0)

    z = jnp.concatenate([pooled, g[...], features[...]], axis=1)

    def ln_relu(zz, w, b):
        mu = jnp.mean(zz, axis=1, keepdims=True)
        dv = zz - mu
        var = jnp.mean(dv * dv, axis=1, keepdims=True)
        return jnp.maximum(dv / jnp.sqrt(var + EPS) * w + b, 0.0)

    z = ln_relu(jnp.dot(z, m2w0[...], preferred_element_type=jnp.float32)
                + m2b0[...], m2ln0w[...], m2ln0b[...])
    z = ln_relu(jnp.dot(z, m2w1[...], preferred_element_type=jnp.float32)
                + m2b1[...], m2ln1w[...], m2ln1b[...])
    z = ln_relu(jnp.dot(z, m2w2[...], preferred_element_type=jnp.float32)
                + m2b2[...], m2ln2w[...], m2ln2b[...])
    out[...] = (jnp.dot(z, m2w3[...], preferred_element_type=jnp.float32)
                + m2b3[...])


def _dense2(acc0, acc1, h, g, batch, features, w2rel, b2rel, w2root, n2w, n2b,
            m2w0, m2b0, m2ln0w, m2ln0b, m2w1, m2b1, m2ln1w, m2ln1b,
            m2w2, m2b2, m2ln2w, m2ln2b, m2w3, m2b3):
    return pl.pallas_call(
        _dense2_body,
        out_shape=jax.ShapeDtypeStruct((B, OUT), jnp.float32),
    )(acc0, acc1, h, g, batch, features, w2rel, b2rel, w2root, n2w, n2b,
      m2w0, m2b0, m2ln0w, m2ln0b, m2w1, m2b1, m2ln1w, m2ln1b,
      m2w2, m2b2, m2ln2w, m2ln2b, m2w3, m2b3)


def kernel(x, edge_index, features, batch,
           W1_rel, b1_rel, W1_root, n1_w, n1_b,
           m1_W0, m1_b0, m1_ln0_w, m1_ln0_b, m1_W1, m1_b1,
           W2_rel, b2_rel, W2_root, n2_w, n2_b,
           m2_W0, m2_b0, m2_ln0_w, m2_ln0_b, m2_W1, m2_b1,
           m2_ln1_w, m2_ln1_b, m2_W2, m2_b2, m2_ln2_w, m2_ln2_b,
           m2_W3, m2_b3):
    edges_flat = edge_index.reshape(-1)
    zeros = jnp.zeros((ZROWS, H), jnp.float32)
    batch2d = batch.reshape(1, N)

    r1 = lambda a: a.reshape(1, -1)

    agg1 = _segment_sum_sc(x, edges_flat, zeros)
    h, g = _dense1(agg1[0], agg1[1], x, batch2d, features,
                   W1_rel, r1(b1_rel), W1_root, r1(n1_w), r1(n1_b),
                   m1_W0, r1(m1_b0), r1(m1_ln0_w), r1(m1_ln0_b),
                   m1_W1, r1(m1_b1))
    agg2 = _segment_sum_sc(h, edges_flat, zeros)
    out = _dense2(agg2[0], agg2[1], h, g, batch2d, features,
                  W2_rel, r1(b2_rel), W2_root, r1(n2_w), r1(n2_b),
                  m2_W0, r1(m2_b0), r1(m2_ln0_w), r1(m2_ln0_b),
                  m2_W1, r1(m2_b1), r1(m2_ln1_w), r1(m2_ln1_b),
                  m2_W2, r1(m2_b2), r1(m2_ln2_w), r1(m2_ln2_b),
                  m2_W3, r1(m2_b3))
    return out

# --- scband reference (transcript-rebuilt; emitter-appended) ---
"""Pipeline reference for scband-pumodel-88450556494650 (READ-ONLY COPY).

The authoritative reference and input builder live on the scoring server;
editing this copy changes nothing except your own understanding.
"""

import jax, jax.numpy as jnp
import numpy as np

N = 10000
E = 320000
D_IN = 128
H = 128
F_G = 16
B = 64
OUT = 2
EPS = 1e-5

def _lin(key, fi, fo):
    return (jax.random.normal(key, (fi, fo), dtype=jnp.float32) / np.sqrt(fi)).astype(jnp.float32)

def graph_conv(x, src, dst, W_rel, b_rel, W_root):
    # PyG GraphConv: out = lin_rel(sum_{j in N(i)} x_j) + lin_root(x_i)
    agg = jax.ops.segment_sum(x[src], dst, num_segments=x.shape[0])
    return agg @ W_rel + b_rel + x @ W_root

def pyg_graph_layernorm(x, w, b):
    # PyG LayerNorm default mode='graph' with batch=None: normalize over all nodes+features
    mean = jnp.mean(x)
    out = x - mean
    var = jnp.mean(out * out)
    return (out / jnp.sqrt(var + EPS)) * w + b

def row_layernorm(x, w, b):
    mean = jnp.mean(x, axis=-1, keepdims=True)
    var = jnp.var(x, axis=-1, keepdims=True)
    return (x - mean) / jnp.sqrt(var + EPS) * w + b

def global_mean_pool(x, batch, num_graphs):
    s = jax.ops.segment_sum(x, batch, num_segments=num_graphs)
    cnt = jax.ops.segment_sum(jnp.ones((x.shape[0],), dtype=x.dtype), batch, num_segments=num_graphs)
    return s / jnp.maximum(cnt, 1.0)[:, None]

def setup_inputs(seed: int = 0):
    key = jax.random.key(seed)
    ks = jax.random.split(key, 40)
    inp = {}
    inp["x"] = jax.random.normal(ks[0], (N, D_IN), dtype=jnp.float32)
    inp["edge_index"] = jax.random.randint(ks[1], (2, E), 0, N, dtype=jnp.int32)
    inp["features"] = jax.random.normal(ks[2], (B, F_G), dtype=jnp.float32)
    inp["batch"] = jnp.sort(jax.random.randint(ks[3], (N,), 0, B, dtype=jnp.int32))
    inp["W1_rel"] = _lin(ks[4], D_IN, H)
    inp["b1_rel"] = jnp.zeros((H,), jnp.float32)
    inp["W1_root"] = _lin(ks[5], D_IN, H)
    inp["n1_w"] = jnp.ones((H,), jnp.float32)
    inp["n1_b"] = jnp.zeros((H,), jnp.float32)
    inp["m1_W0"] = _lin(ks[6], H + F_G, 2 * H)
    inp["m1_b0"] = jnp.zeros((2 * H,), jnp.float32)
    inp["m1_ln0_w"] = jnp.ones((2 * H,), jnp.float32)
    inp["m1_ln0_b"] = jnp.zeros((2 * H,), jnp.float32)
    inp["m1_W1"] = _lin(ks[7], 2 * H, 2 * H)
    inp["m1_b1"] = jnp.zeros((2 * H,), jnp.float32)
    inp["W2_rel"] = _lin(ks[8], H, H)
    inp["b2_rel"] = jnp.zeros((H,), jnp.float32)
    inp["W2_root"] = _lin(ks[9], H, H)
    inp["n2_w"] = jnp.ones((H,), jnp.float32)
    inp["n2_b"] = jnp.zeros((H,), jnp.float32)
    inp["m2_W0"] = _lin(ks[10], 3 * H + F_G, 2 * H)
    inp["m2_b0"] = jnp.zeros((2 * H,), jnp.float32)
    inp["m2_ln0_w"] = jnp.ones((2 * H,), jnp.float32)
    inp["m2_ln0_b"] = jnp.zeros((2 * H,), jnp.float32)
    inp["m2_W1"] = _lin(ks[11], 2 * H, H)
    inp["m2_b1"] = jnp.zeros((H,), jnp.float32)
    inp["m2_ln1_w"] = jnp.ones((H,), jnp.float32)
    inp["m2_ln1_b"] = jnp.zeros((H,), jnp.float32)
    inp["m2_W2"] = _lin(ks[12], H, H // 2)
    inp["m2_b2"] = jnp.zeros((H // 2,), jnp.float32)
    inp["m2_ln2_w"] = jnp.ones((H // 2,), jnp.float32)
    inp["m2_ln2_b"] = jnp.zeros((H // 2,), jnp.float32)
    inp["m2_W3"] = _lin(ks[13], H // 2, OUT)
    inp["m2_b3"] = jnp.zeros((OUT,), jnp.float32)
    return inp

def reference(x, edge_index, features, batch, W1_rel, b1_rel, W1_root, n1_w, n1_b, m1_W0, m1_b0, m1_ln0_w, m1_ln0_b, m1_W1, m1_b1, W2_rel, b2_rel, W2_root, n2_w, n2_b, m2_W0, m2_b0, m2_ln0_w, m2_ln0_b, m2_W1, m2_b1, m2_ln1_w, m2_ln1_b, m2_W2, m2_b2, m2_ln2_w, m2_ln2_b, m2_W3, m2_b3):
    src, dst = edge_index[0], edge_index[1]
    h = graph_conv(x, src, dst, W1_rel, b1_rel, W1_root)
    h = pyg_graph_layernorm(h, n1_w, n1_b)
    h = jax.nn.relu(h)
    pooled1 = global_mean_pool(h, batch, B)
    z = jnp.concatenate([pooled1, features], axis=1)
    z = jax.nn.relu(row_layernorm(z @ m1_W0 + m1_b0, m1_ln0_w, m1_ln0_b))
    g = z @ m1_W1 + m1_b1
    h2 = graph_conv(h, src, dst, W2_rel, b2_rel, W2_root)
    h2 = pyg_graph_layernorm(h2, n2_w, n2_b)
    h2 = jax.nn.relu(h2)
    pooled2 = global_mean_pool(h2, batch, B)
    z2 = jnp.concatenate([pooled2, g, features], axis=1)
    z2 = jax.nn.relu(row_layernorm(z2 @ m2_W0 + m2_b0, m2_ln0_w, m2_ln0_b))
    z2 = jax.nn.relu(row_layernorm(z2 @ m2_W1 + m2_b1, m2_ln1_w, m2_ln1_b))
    z2 = jax.nn.relu(row_layernorm(z2 @ m2_W2 + m2_b2, m2_ln2_w, m2_ln2_b))
    out = z2 @ m2_W3 + m2_b3
    return out

if __name__ == "__main__":
    import jax
    _d = setup_inputs()
    print(jax.jit(kernel)(*tuple(_d.values())))

</pallas_src>

<mosaic_0001>
#map = affine_map<(d0, d1) -> (0, 0)>
#map1 = affine_map<(d0, d1) -> (0)>
#map2 = affine_map<(d0, d1) -> (0, 0, 0)>
module attributes {stable_mosaic.version = 14 : i64} {
  func.func @seg_kernel(%arg0: i32, %arg1: i32, %arg2: memref<10000x128xf32, #tpu.memory_space<hbm>>, %arg3: memref<640000xi32, #tpu.memory_space<hbm>>, %arg4: memref<208x128xf32, #tpu.memory_space<hbm>>, %arg5: memref<2x10000x128xf32, #tpu.memory_space<hbm>>, %arg6: memref<10000x128xf32, #tpu.memory_space<vmem_shared>>, %arg7: memref<10000xi32, #tpu.memory_space<vmem>>, %arg8: memref<80xi32, #tpu.memory_space<vmem>>, %arg9: memref<80xi32, #tpu.memory_space<vmem>>, %arg10: memref<80xi32, #tpu.memory_space<vmem>>, %arg11: memref<80x128xf32, #tpu.memory_space<vmem>>, %arg12: memref<80x128xf32, #tpu.memory_space<vmem>>, %arg13: memref<80x128xf32, #tpu.memory_space<vmem>>, %arg14: memref<!tpu.dma_semaphore, #tpu.memory_space<semaphore_mem>>, %arg15: memref<!tpu.dma_semaphore, #tpu.memory_space<semaphore_mem>>, %arg16: memref<!tpu.dma_semaphore, #tpu.memory_space<semaphore_mem>>, %arg17: memref<!tpu.dma_semaphore, #tpu.memory_space<semaphore_mem>>, %arg18: memref<!tpu.dma_semaphore, #tpu.memory_space<semaphore_mem>>, %arg19: memref<!tpu.dma_semaphore, #tpu.memory_space<semaphore_mem>>, %arg20: memref<!tpu.dma_semaphore, #tpu.memory_space<semaphore_mem>>) attributes {dimension_semantics = [#tpu.dimension_semantics<core_parallel>, #tpu.dimension_semantics<subcore_parallel>], iteration_bounds = array<i64: 2, 16>, scalar_prefetch = 0 : i64, scratch_operands = 15 : i64, tpu.core_type = #tpu.core_type<sc_vector_subcore>, window_params = [{transform_indices = #map}, {transform_indices = #map1}, {transform_indices = #map}, {transform_indices = #map2}]} {
    %mul3A = arith.constant 16 : i32
    %mul3A_0 = arith.muli %arg0, %mul3A : i32
    %add3A = arith.addi %mul3A_0, %arg1 : i32
    %mul3A_1 = arith.constant 624 : i32
    %mul3A_2 = arith.muli %arg1, %mul3A_1 : i32
    %mul3A_3 = arith.constant 10000 : i32
    %mul3A_4 = arith.muli %add3A, %mul3A_3 : i32
    %add3A_5 = arith.constant 320000 : i32
    %add3A_6 = arith.addi %add3A_5, %mul3A_4 : i32
    "tpu.region"() ({
      %run_scoped3A = tpu.sem_alloc : memref<!tpu.dma_semaphore, #tpu.memory_space<semaphore_mem>>
      %dma_start3A_103 = tpu.memref_slice %arg3[%mul3A_4] : memref<640000xi32, #tpu.memory_space<hbm>> -> memref<10000xi32, #tpu.memory_space<hbm>>
      %dma_start3A_104 = tpu.memref_slice %arg3[%mul3A_4] : memref<640000xi32, #tpu.memory_space<hbm>> -> memref<10000xi32, #tpu.memory_space<hbm>>
      tpu.enqueue_dma source(%dma_start3A_104 : memref<10000xi32, #tpu.memory_space<hbm>>) target(%arg7 : memref<10000xi32, #tpu.memory_space<vmem>>) target_semaphore(%run_scoped3A : memref<!tpu.dma_semaphore, #tpu.memory_space<semaphore_mem>>)
      %dma_wait3A_105 = tpu.memref_slice %arg3[%mul3A_4] : memref<640000xi32, #tpu.memory_space<hbm>> -> memref<10000xi32, #tpu.memory_space<hbm>>
      %dma_wait3A_106 = tpu.memref_slice %arg3[%mul3A_4] : memref<640000xi32, #tpu.memory_space<hbm>> -> memref<10000xi32, #tpu.memory_space<hbm>>
      tpu.wait_dma2 semaphore(%run_scoped3A : memref<!tpu.dma_semaphore, #tpu.memory_space<semaphore_mem>>) src(%dma_wait3A_106 : memref<10000xi32, #tpu.memory_space<hbm>>) dst(%arg7 : memref<10000xi32, #tpu.memory_space<vmem>>)
      tpu.yield
    }) : () -> ()
    %add3A_7 = arith.constant 0 : i32
    %add3A_8 = arith.addi %add3A_6, %add3A_7 : i32
    %dma_start3A = tpu.memref_slice %arg3[%add3A_8] : memref<640000xi32, #tpu.memory_space<hbm>> -> memref<80xi32, #tpu.memory_space<hbm>>
    %dma_start3A_9 = tpu.memref_slice %arg3[%add3A_8] : memref<640000xi32, #tpu.memory_space<hbm>> -> memref<80xi32, #tpu.memory_space<hbm>>
    tpu.enqueue_dma source(%dma_start3A_9 : memref<80xi32, #tpu.memory_space<hbm>>) target(%arg8 : memref<80xi32, #tpu.memory_space<vmem>>) target_semaphore(%arg14 : memref<!tpu.dma_semaphore, #tpu.memory_space<semaphore_mem>>)
    %dma_start3A_10 = arith.constant 0 : i32
    %dma_start3A_11 = tpu.memref_slice %arg7[%dma_start3A_10] : memref<10000xi32, #tpu.memory_space<vmem>> -> memref<80xi32, #tpu.memory_space<vmem>>
    %dma_start3A_12 = arith.constant 0 : i32
    %dma_start3A_13 = arith.constant 0 : i32
    %dma_start3A_14 = tpu.memref_slice %arg2[%dma_start3A_12, %dma_start3A_13] : memref<10000x128xf32, #tpu.memory_space<hbm>> -> memref<10000x128xf32, #tpu.memory_space<hbm>>
    tpu.enqueue_indirect_dma source(%dma_start3A_14 : memref<10000x128xf32, #tpu.memory_space<hbm>>) target(%arg11 : memref<80x128xf32, #tpu.memory_space<vmem>>) offsets(%dma_start3A_11 : memref<80xi32, #tpu.memory_space<vmem>>) semaphore(%arg14 : memref<!tpu.dma_semaphore, #tpu.memory_space<semaphore_mem>>)
    %add3A_15 = arith.constant 80 : i32
    %add3A_16 = arith.addi %add3A_6, %add3A_15 : i32
    %dma_start3A_17 = tpu.memref_slice %arg3[%add3A_16] : memref<640000xi32, #tpu.memory_space<hbm>> -> memref<80xi32, #tpu.memory_space<hbm>>
    %dma_start3A_18 = tpu.memref_slice %arg3[%add3A_16] : memref<640000xi32, #tpu.memory_space<hbm>> -> memref<80xi32, #tpu.memory_space<hbm>>
    tpu.enqueue_dma source(%dma_start3A_18 : memref<80xi32, #tpu.memory_space<hbm>>) target(%arg9 : memref<80xi32, #tpu.memory_space<vmem>>) target_semaphore(%arg15 : memref<!tpu.dma_semaphore, #tpu.memory_space<semaphore_mem>>)
    %dma_start3A_19 = arith.constant 80 : i32
    %dma_start3A_20 = tpu.memref_slice %arg7[%dma_start3A_19] : memref<10000xi32, #tpu.memory_space<vmem>> -> memref<80xi32, #tpu.memory_space<vmem>>
    %dma_start3A_21 = arith.constant 0 : i32
    %dma_start3A_22 = arith.constant 0 : i32
    %dma_start3A_23 = tpu.memref_slice %arg2[%dma_start3A_21, %dma_start3A_22] : memref<10000x128xf32, #tpu.memory_space<hbm>> -> memref<10000x128xf32, #tpu.memory_space<hbm>>
    tpu.enqueue_indirect_dma source(%dma_start3A_23 : memref<10000x128xf32, #tpu.memory_space<hbm>>) target(%arg12 : memref<80x128xf32, #tpu.memory_space<vmem>>) offsets(%dma_start3A_20 : memref<80xi32, #tpu.memory_space<vmem>>) semaphore(%arg15 : memref<!tpu.dma_semaphore, #tpu.memory_space<semaphore_mem>>)
    %add3A_24 = arith.constant 160 : i32
    %add3A_25 = arith.addi %add3A_6, %add3A_24 : i32
    %dma_start3A_26 = tpu.memref_slice %arg3[%add3A_25] : memref<640000xi32, #tpu.memory_space<hbm>> -> memref<80xi32, #tpu.memory_space<hbm>>
    %dma_start3A_27 = tpu.memref_slice %arg3[%add3A_25] : memref<640000xi32, #tpu.memory_space<hbm>> -> memref<80xi32, #tpu.memory_space<hbm>>
    tpu.enqueue_dma source(%dma_start3A_27 : memref<80xi32, #tpu.memory_space<hbm>>) target(%arg10 : memref<80xi32, #tpu.memory_space<vmem>>) target_semaphore(%arg16 : memref<!tpu.dma_semaphore, #tpu.memory_space<semaphore_mem>>)
    %dma_start3A_28 = arith.constant 160 : i32
    %dma_start3A_29 = tpu.memref_slice %arg7[%dma_start3A_28] : memref<10000xi32, #tpu.memory_space<vmem>> -> memref<80xi32, #tpu.memory_space<vmem>>
    %dma_start3A_30 = arith.constant 0 : i32
    %dma_start3A_31 = arith.constant 0 : i32
    %dma_start3A_32 = tpu.memref_slice %arg2[%dma_start3A_30, %dma_start3A_31] : memref<10000x128xf32, #tpu.memory_space<hbm>> -> memref<10000x128xf32, #tpu.memory_space<hbm>>
    tpu.enqueue_indirect_dma source(%dma_start3A_32 : memref<10000x128xf32, #tpu.memory_space<hbm>>) target(%arg13 : memref<80x128xf32, #tpu.memory_space<vmem>>) offsets(%dma_start3A_29 : memref<80xi32, #tpu.memory_space<vmem>>) semaphore(%arg16 : memref<!tpu.dma_semaphore, #tpu.memory_space<semaphore_mem>>)
    %add3A_33 = arith.constant 0 : i32
    %add3A_34 = arith.addi %mul3A_2, %add3A_33 : i32
    %dma_start3A_35 = arith.constant 0 : i32
    %dma_start3A_36 = tpu.memref_slice %arg6[%add3A_34, %dma_start3A_35] : memref<10000x128xf32, #tpu.memory_space<vmem_shared>> -> memref<208x128xf32, #tpu.memory_space<vmem_shared>>
    tpu.enqueue_dma source(%arg4 : memref<208x128xf32, #tpu.memory_space<hbm>>) target(%dma_start3A_36 : memref<208x128xf32, #tpu.memory_space<vmem_shared>>) target_semaphore(%arg20 : memref<!tpu.dma_semaphore, #tpu.memory_space<semaphore_mem>>)
    %add3A_37 = arith.constant 208 : i32
    %add3A_38 = arith.addi %mul3A_2, %add3A_37 : i32
    %dma_start3A_39 = arith.constant 0 : i32
    %dma_start3A_40 = tpu.memref_slice %arg6[%add3A_38, %dma_start3A_39] : memref<10000x128xf32, #tpu.memory_space<vmem_shared>> -> memref<208x128xf32, #tpu.memory_space<vmem_shared>>
    tpu.enqueue_dma source(%arg4 : memref<208x128xf32, #tpu.memory_space<hbm>>) target(%dma_start3A_40 : memref<208x128xf32, #tpu.memory_space<vmem_shared>>) target_semaphore(%arg20 : memref<!tpu.dma_semaphore, #tpu.memory_space<semaphore_mem>>)
    %add3A_41 = arith.constant 416 : i32
    %add3A_42 = arith.addi %mul3A_2, %add3A_41 : i32
    %dma_start3A_43 = arith.constant 0 : i32
    %dma_start3A_44 = tpu.memref_slice %arg6[%add3A_42, %dma_start3A_43] : memref<10000x128xf32, #tpu.memory_space<vmem_shared>> -> memref<208x128xf32, #tpu.memory_space<vmem_shared>>
    tpu.enqueue_dma source(%arg4 : memref<208x128xf32, #tpu.memory_space<hbm>>) target(%dma_start3A_44 : memref<208x128xf32, #tpu.memory_space<vmem_shared>>) target_semaphore(%arg20 : memref<!tpu.dma_semaphore, #tpu.memory_space<semaphore_mem>>)
    %eq3A = arith.constant 15 : i32
    %eq3A_45 = arith.cmpi eq, %arg1, %eq3A : i32
    %convert_element_type3A = arith.extui %eq3A_45 : i1 to i32
    %cond3A = arith.constant 0 : i32
    %cond3A_46 = arith.cmpi ne, %convert_element_type3A, %cond3A : i32
    scf.if %cond3A_46 {
      %dma_start3A_103 = arith.constant 9984 : i32
      %dma_start3A_104 = arith.constant 0 : i32
      %dma_start3A_105 = tpu.memref_slice %arg6[%dma_start3A_103, %dma_start3A_104] : memref<10000x128xf32, #tpu.memory_space<vmem_shared>> -> memref<16x128xf32, #tpu.memory_space<vmem_shared>>
      %dma_start3A_106 = arith.constant 0 : i32
      %dma_start3A_107 = arith.constant 0 : i32
      %dma_start3A_108 = tpu.memref_slice %arg4[%dma_start3A_106, %dma_start3A_107] : memref<208x128xf32, #tpu.memory_space<hbm>> -> memref<16x128xf32, #tpu.memory_space<hbm>>
      tpu.enqueue_dma source(%dma_start3A_108 : memref<16x128xf32, #tpu.memory_space<hbm>>) target(%dma_start3A_105 : memref<16x128xf32, #tpu.memory_space<vmem_shared>>) target_semaphore(%arg20 : memref<!tpu.dma_semaphore, #tpu.memory_space<semaphore_mem>>)
    } else {
    }
    %add3A_47 = arith.constant 0 : i32
    %add3A_48 = arith.addi %mul3A_2, %add3A_47 : i32
    %dma_wait3A = arith.constant 0 : i32
    %dma_wait3A_49 = tpu.memref_slice %arg6[%add3A_48, %dma_wait3A] : memref<10000x128xf32, #tpu.memory_space<vmem_shared>> -> memref<208x128xf32, #tpu.memory_space<vmem_shared>>
    tpu.wait_dma2 semaphore(%arg20 : memref<!tpu.dma_semaphore, #tpu.memory_space<semaphore_mem>>) src(%arg4 : memref<208x128xf32, #tpu.memory_space<hbm>>) dst(%dma_wait3A_49 : memref<208x128xf32, #tpu.memory_space<vmem_shared>>)
    %add3A_50 = arith.constant 208 : i32
    %add3A_51 = arith.addi %mul3A_2, %add3A_50 : i32
    %dma_wait3A_52 = arith.constant 0 : i32
    %dma_wait3A_53 = tpu.memref_slice %arg6[%add3A_51, %dma_wait3A_52] : memref<10000x128xf32, #tpu.memory_space<vmem_shared>> -> memref<208x128xf32, #tpu.memory_space<vmem_shared>>
    tpu.wait_dma2 semaphore(%arg20 : memref<!tpu.dma_semaphore, #tpu.memory_space<semaphore_mem>>) src(%arg4 : memref<208x128xf32, #tpu.memory_space<hbm>>) dst(%dma_wait3A_53 : memref<208x128xf32, #tpu.memory_space<vmem_shared>>)
    %add3A_54 = arith.constant 416 : i32
    %add3A_55 = arith.addi %mul3A_2, %add3A_54 : i32
    %dma_wait3A_56 = arith.constant 0 : i32
    %dma_wait3A_57 = tpu.memref_slice %arg6[%add3A_55, %dma_wait3A_56] : memref<10000x128xf32, #tpu.memory_space<vmem_shared>> -> memref<208x128xf32, #tpu.memory_space<vmem_shared>>
    tpu.wait_dma2 semaphore(%arg20 : memref<!tpu.dma_semaphore, #tpu.memory_space<semaphore_mem>>) src(%arg4 : memref<208x128xf32, #tpu.memory_space<hbm>>) dst(%dma_wait3A_57 : memref<208x128xf32, #tpu.memory_space<vmem_shared>>)
    %eq3A_58 = arith.constant 15 : i32
    %eq3A_59 = arith.cmpi eq, %arg1, %eq3A_58 : i32
    %convert_element_type3A_60 = arith.extui %eq3A_59 : i1 to i32
    %cond3A_61 = arith.constant 0 : i32
    %cond3A_62 = arith.cmpi ne, %convert_element_type3A_60, %cond3A_61 : i32
    scf.if %cond3A_62 {
      %dma_wait3A_103 = arith.constant 9984 : i32
      %dma_wait3A_104 = arith.constant 0 : i32
      %dma_wait3A_105 = tpu.memref_slice %arg6[%dma_wait3A_103, %dma_wait3A_104] : memref<10000x128xf32, #tpu.memory_space<vmem_shared>> -> memref<16x128xf32, #tpu.memory_space<vmem_shared>>
      %dma_wait3A_106 = arith.constant 0 : i32
      %dma_wait3A_107 = arith.constant 0 : i32
      %dma_wait3A_108 = tpu.memref_slice %arg4[%dma_wait3A_106, %dma_wait3A_107] : memref<208x128xf32, #tpu.memory_space<hbm>> -> memref<16x128xf32, #tpu.memory_space<hbm>>
      tpu.wait_dma2 semaphore(%arg20 : memref<!tpu.dma_semaphore, #tpu.memory_space<semaphore_mem>>) src(%dma_wait3A_108 : memref<16x128xf32, #tpu.memory_space<hbm>>) dst(%dma_wait3A_105 : memref<16x128xf32, #tpu.memory_space<vmem_shared>>)
    } else {
    }
    %barrier3A = arith.constant 0 : index
    tpu.barrier barrier_id(%barrier3A)
    %scan3A = arith.constant 0 : i32
    %scan3A_63 = arith.constant 0 : i32
    %scan3A_64 = arith.constant 41 : i32
    %scan3A_65 = arith.addi %scan3A_63, %scan3A_64 : i32
    %scan3A_66 = arith.constant 1 : i32
    scf.for %scan3A_103 = %scan3A_63 to %scan3A_65 step %scan3A_66  : i32 {
      %mul3A_104 = arith.constant 3 : i32
      %mul3A_105 = arith.muli %scan3A_103, %mul3A_104 : i32
      %add3A_106 = arith.constant 0 : i32
      %add3A_107 = arith.addi %mul3A_105, %add3A_106 : i32
      %dma_wait3A_108 = tpu.memref_slice %arg3[%add3A_6] : memref<640000xi32, #tpu.memory_space<hbm>> -> memref<80xi32, #tpu.memory_space<hbm>>
      %dma_wait3A_109 = tpu.memref_slice %arg3[%add3A_6] : memref<640000xi32, #tpu.memory_space<hbm>> -> memref<80xi32, #tpu.memory_space<hbm>>
      tpu.wait_dma2 semaphore(%arg14 : memref<!tpu.dma_semaphore, #tpu.memory_space<semaphore_mem>>) src(%dma_wait3A_109 : memref<80xi32, #tpu.memory_space<hbm>>) dst(%arg8 : memref<80xi32, #tpu.memory_space<vmem>>)
      %dma_wait3A_110 = arith.constant 0 : i32
      %dma_wait3A_111 = tpu.memref_slice %arg7[%dma_wait3A_110] : memref<10000xi32, #tpu.memory_space<vmem>> -> memref<80xi32, #tpu.memory_space<vmem>>
      %dma_wait3A_112 = arith.constant 0 : i32
      %dma_wait3A_113 = arith.constant 0 : i32
      %dma_wait3A_114 = tpu.memref_slice %arg2[%dma_wait3A_112, %dma_wait3A_113] : memref<10000x128xf32, #tpu.memory_space<hbm>> -> memref<10000x128xf32, #tpu.memory_space<hbm>>
      tpu.wait_indirect_dma semaphore(%arg14 : memref<!tpu.dma_semaphore, #tpu.memory_space<semaphore_mem>>) src(%dma_wait3A_114 : memref<10000x128xf32, #tpu.memory_space<hbm>>) dst(%arg11 : memref<80x128xf32, #tpu.memory_space<vmem>>)
      %gt3A = arith.constant 0 : i32
      %gt3A_115 = arith.cmpi sgt, %scan3A_103, %gt3A : i32
      %convert_element_type3A_116 = arith.extui %gt3A_115 : i1 to i32
      %cond3A_117 = arith.constant 0 : i32
      %cond3A_118 = arith.cmpi ne, %convert_element_type3A_116, %cond3A_117 : i32
      scf.if %cond3A_118 {
        %dma_wait3A_185 = arith.constant 0 : i32
        %dma_wait3A_186 = arith.constant 0 : i32
        %dma_wait3A_187 = tpu.memref_slice %arg6[%dma_wait3A_185, %dma_wait3A_186] : memref<10000x128xf32, #tpu.memory_space<vmem_shared>> -> memref<10000x128xf32, #tpu.memory_space<vmem_shared>>
        tpu.wait_indirect_dma semaphore(%arg19 : memref<!tpu.dma_semaphore, #tpu.memory_space<semaphore_mem>>) src(%arg13 : memref<80x128xf32, #tpu.memory_space<vmem>>) dst(%dma_wait3A_187 : memref<10000x128xf32, #tpu.memory_space<vmem_shared>>)
        %sub3A_188 = arith.constant 1 : i32
        %sub3A_189 = arith.subi %add3A_107, %sub3A_188 : i32
        %add3A_190 = arith.constant 3 : i32
        %add3A_191 = arith.addi %sub3A_189, %add3A_190 : i32
        %mul3A_192 = arith.constant 80 : i32
        %mul3A_193 = arith.muli %add3A_191, %mul3A_192 : i32
        %add3A_194 = arith.addi %add3A_6, %mul3A_193 : i32
        %dma_start3A_195 = tpu.memref_slice %arg3[%add3A_194] : memref<640000xi32, #tpu.memory_space<hbm>> -> memref<80xi32, #tpu.memory_space<hbm>>
        %dma_start3A_196 = tpu.memref_slice %arg3[%add3A_194] : memref<640000xi32, #tpu.memory_space<hbm>> -> memref<80xi32, #tpu.memory_space<hbm>>
        tpu.enqueue_dma source(%dma_start3A_196 : memref<80xi32, #tpu.memory_space<hbm>>) target(%arg10 : memref<80xi32, #tpu.memory_space<vmem>>) target_semaphore(%arg16 : memref<!tpu.dma_semaphore, #tpu.memory_space<semaphore_mem>>)
        %mul3A_197 = arith.constant 80 : i32
        %mul3A_198 = arith.muli %add3A_191, %mul3A_197 : i32
        %dma_start3A_199 = tpu.memref_slice %arg7[%mul3A_198] : memref<10000xi32, #tpu.memory_space<vmem>> -> memref<80xi32, #tpu.memory_space<vmem>>
        %dma_start3A_200 = arith.constant 0 : i32
        %dma_start3A_201 = arith.constant 0 : i32
        %dma_start3A_202 = tpu.memref_slice %arg2[%dma_start3A_200, %dma_start3A_201] : memref<10000x128xf32, #tpu.memory_space<hbm>> -> memref<10000x128xf32, #tpu.memory_space<hbm>>
        tpu.enqueue_indirect_dma source(%dma_start3A_202 : memref<10000x128xf32, #tpu.memory_space<hbm>>) target(%arg13 : memref<80x128xf32, #tpu.memory_space<vmem>>) offsets(%dma_start3A_199 : memref<80xi32, #tpu.memory_space<vmem>>) semaphore(%arg16 : memref<!tpu.dma_semaphore, #tpu.memory_space<semaphore_mem>>)
      } else {
      }
      %dma_start3A_119 = arith.constant 0 : i32
      %dma_start3A_120 = arith.constant 0 : i32
      %dma_start3A_121 = tpu.memref_slice %arg6[%dma_start3A_119, %dma_start3A_120] : memref<10000x128xf32, #tpu.memory_space<vmem_shared>> -> memref<10000x128xf32, #tpu.memory_space<vmem_shared>>
      tpu.enqueue_indirect_dma source(%arg11 : memref<80x128xf32, #tpu.memory_space<vmem>>) target(%dma_start3A_121 : memref<10000x128xf32, #tpu.memory_space<vmem_shared>>) offsets(%arg8 : memref<80xi32, #tpu.memory_space<vmem>>) semaphore(%arg17 : memref<!tpu.dma_semaphore, #tpu.memory_space<semaphore_mem>>) {add = true}
      %mul3A_122 = arith.constant 3 : i32
      %mul3A_123 = arith.muli %scan3A_103, %mul3A_122 : i32
      %add3A_124 = arith.constant 1 : i32
      %add3A_125 = arith.addi %mul3A_123, %add3A_124 : i32
      %dma_wait3A_126 = tpu.memref_slice %arg3[%add3A_6] : memref<640000xi32, #tpu.memory_space<hbm>> -> memref<80xi32, #tpu.memory_space<hbm>>
      %dma_wait3A_127 = tpu.memref_slice %arg3[%add3A_6] : memref<640000xi32, #tpu.memory_space<hbm>> -> memref<80xi32, #tpu.memory_space<hbm>>
      tpu.wait_dma2 semaphore(%arg15 : memref<!tpu.dma_semaphore, #tpu.memory_space<semaphore_mem>>) src(%dma_wait3A_127 : memref<80xi32, #tpu.memory_space<hbm>>) dst(%arg9 : memref<80xi32, #tpu.memory_space<vmem>>)
      %dma_wait3A_128 = arith.constant 0 : i32
      %dma_wait3A_129 = tpu.memref_slice %arg7[%dma_wait3A_128] : memref<10000xi32, #tpu.memory_space<vmem>> -> memref<80xi32, #tpu.memory_space<vmem>>
      %dma_wait3A_130 = arith.constant 0 : i32
      %dma_wait3A_131 = arith.constant 0 : i32
      %dma_wait3A_132 = tpu.memref_slice %arg2[%dma_wait3A_130, %dma_wait3A_131] : memref<10000x128xf32, #tpu.memory_space<hbm>> -> memref<10000x128xf32, #tpu.memory_space<hbm>>
      tpu.wait_indirect_dma semaphore(%arg15 : memref<!tpu.dma_semaphore, #tpu.memory_space<semaphore_mem>>) src(%dma_wait3A_132 : memref<10000x128xf32, #tpu.memory_space<hbm>>) dst(%arg12 : memref<80x128xf32, #tpu.memory_space<vmem>>)
      %dma_wait3A_133 = arith.constant 0 : i32
      %dma_wait3A_134 = arith.constant 0 : i32
      %dma_wait3A_135 = tpu.memref_slice %arg6[%dma_wait3A_133, %dma_wait3A_134] : memref<10000x128xf32, #tpu.memory_space<vmem_shared>> -> memref<10000x128xf32, #tpu.memory_space<vmem_shared>>
      tpu.wait_indirect_dma semaphore(%arg17 : memref<!tpu.dma_semaphore, #tpu.memory_space<semaphore_mem>>) src(%arg11 : memref<80x128xf32, #tpu.memory_space<vmem>>) dst(%dma_wait3A_135 : memref<10000x128xf32, #tpu.memory_space<vmem_shared>>)
      %sub3A = arith.constant 1 : i32
      %sub3A_136 = arith.subi %add3A_125, %sub3A : i32
      %add3A_137 = arith.constant 3 : i32
      %add3A_138 = arith.addi %sub3A_136, %add3A_137 : i32
      %mul3A_139 = arith.constant 80 : i32
      %mul3A_140 = arith.muli %add3A_138, %mul3A_139 : i32
      %add3A_141 = arith.addi %add3A_6, %mul3A_140 : i32
      %dma_start3A_142 = tpu.memref_slice %arg3[%add3A_141] : memref<640000xi32, #tpu.memory_space<hbm>> -> memref<80xi32, #tpu.memory_space<hbm>>
      %dma_start3A_143 = tpu.memref_slice %arg3[%add3A_141] : memref<640000xi32, #tpu.memory_space<hbm>> -> memref<80xi32, #tpu.memory_space<hbm>>
      tpu.enqueue_dma source(%dma_start3A_143 : memref<80xi32, #tpu.memory_space<hbm>>) target(%arg8 : memref<80xi32, #tpu.memory_space<vmem>>) target_semaphore(%arg14 : memref<!tpu.dma_semaphore, #tpu.memory_space<semaphore_mem>>)
      %mul3A_144 = arith.constant 80 : i32
      %mul3A_145 = arith.muli %add3A_138, %mul3A_144 : i32
      %dma_start3A_146 = tpu.memref_slice %arg7[%mul3A_145] : memref<10000xi32, #tpu.memory_space<vmem>> -> memref<80xi32, #tpu.memory_space<vmem>>
      %dma_start3A_147 = arith.constant 0 : i32
      %dma_start3A_148 = arith.constant 0 : i32
      %dma_start3A_149 = tpu.memref_slice %arg2[%dma_start3A_147, %dma_start3A_148] : memref<10000x128xf32, #tpu.memory_space<hbm>> -> memref<10000x128xf32, #tpu.memory_space<hbm>>
      tpu.enqueue_indirect_dma source(%dma_start3A_149 : memref<10000x128xf32, #tpu.memory_space<hbm>>) target(%arg11 : memref<80x128xf32, #tpu.memory_space<vmem>>) offsets(%dma_start3A_146 : memref<80xi32, #tpu.memory_space<vmem>>) semaphore(%arg14 : memref<!tpu.dma_semaphore, #tpu.memory_space<semaphore_mem>>)
      %dma_start3A_150 = arith.constant 0 : i32
      %dma_start3A_151 = arith.constant 0 : i32
      %dma_start3A_152 = tpu.memref_slice %arg6[%dma_start3A_150, %dma_start3A_151] : memref<10000x128xf32, #tpu.memory_space<vmem_shared>> -> memref<10000x128xf32, #tpu.memory_space<vmem_shared>>
      tpu.enqueue_indirect_dma source(%arg12 : memref<80x128xf32, #tpu.memory_space<vmem>>) target(%dma_start3A_152 : memref<10000x128xf32, #tpu.memory_space<vmem_shared>>) offsets(%arg9 : memref<80xi32, #tpu.memory_space<vmem>>) semaphore(%arg18 : memref<!tpu.dma_semaphore, #tpu.memory_space<semaphore_mem>>) {add = true}
      %mul3A_153 = arith.constant 3 : i32
      %mul3A_154 = arith.muli %scan3A_103, %mul3A_153 : i32
      %add3A_155 = arith.constant 2 : i32
      %add3A_156 = arith.addi %mul3A_154, %add3A_155 : i32
      %dma_wait3A_157 = tpu.memref_slice %arg3[%add3A_6] : memref<640000xi32, #tpu.memory_space<hbm>> -> memref<80xi32, #tpu.memory_space<hbm>>
      %dma_wait3A_158 = tpu.memref_slice %arg3[%add3A_6] : memref<640000xi32, #tpu.memory_space<hbm>> -> memref<80xi32, #tpu.memory_space<hbm>>
      tpu.wait_dma2 semaphore(%arg16 : memref<!tpu.dma_semaphore, #tpu.memory_space<semaphore_mem>>) src(%dma_wait3A_158 : memref<80xi32, #tpu.memory_space<hbm>>) dst(%arg10 : memref<80xi32, #tpu.memory_space<vmem>>)
      %dma_wait3A_159 = arith.constant 0 : i32
      %dma_wait3A_160 = tpu.memref_slice %arg7[%dma_wait3A_159] : memref<10000xi32, #tpu.memory_space<vmem>> -> memref<80xi32, #tpu.memory_space<vmem>>
      %dma_wait3A_161 = arith.constant 0 : i32
      %dma_wait3A_162 = arith.constant 0 : i32
      %dma_wait3A_163 = tpu.memref_slice %arg2[%dma_wait3A_161, %dma_wait3A_162] : memref<10000x128xf32, #tpu.memory_space<hbm>> -> memref<10000x128xf32, #tpu.memory_space<hbm>>
      tpu.wait_indirect_dma semaphore(%arg16 : memref<!tpu.dma_semaphore, #tpu.memory_space<semaphore_mem>>) src(%dma_wait3A_163 : memref<10000x128xf32, #tpu.memory_space<hbm>>) dst(%arg13 : memref<80x128xf32, #tpu.memory_space<vmem>>)
      %dma_wait3A_164 = arith.constant 0 : i32
      %dma_wait3A_165 = arith.constant 0 : i32
      %dma_wait3A_166 = tpu.memref_slice %arg6[%dma_wait3A_164, %dma_wait3A_165] : memref<10000x128xf32, #tpu.memory_space<vmem_shared>> -> memref<10000x128xf32, #tpu.memory_space<vmem_shared>>
      tpu.wait_indirect_dma semaphore(%arg18 : memref<!tpu.dma_semaphore, #tpu.memory_space<semaphore_mem>>) src(%arg12 : memref<80x128xf32, #tpu.memory_space<vmem>>) dst(%dma_wait3A_166 : memref<10000x128xf32, #tpu.memory_space<vmem_shared>>)
      %sub3A_167 = arith.constant 1 : i32
      %sub3A_168 = arith.subi %add3A_156, %sub3A_167 : i32
      %add3A_169 = arith.constant 3 : i32
      %add3A_170 = arith.addi %sub3A_168, %add3A_169 : i32
      %mul3A_171 = arith.constant 80 : i32
      %mul3A_172 = arith.muli %add3A_170, %mul3A_171 : i32
      %add3A_173 = arith.addi %add3A_6, %mul3A_172 : i32
      %dma_start3A_174 = tpu.memref_slice %arg3[%add3A_173] : memref<640000xi32, #tpu.memory_space<hbm>> -> memref<80xi32, #tpu.memory_space<hbm>>
      %dma_start3A_175 = tpu.memref_slice %arg3[%add3A_173] : memref<640000xi32, #tpu.memory_space<hbm>> -> memref<80xi32, #tpu.memory_space<hbm>>
      tpu.enqueue_dma source(%dma_start3A_175 : memref<80xi32, #tpu.memory_space<hbm>>) target(%arg9 : memref<80xi32, #tpu.memory_space<vmem>>) target_semaphore(%arg15 : memref<!tpu.dma_semaphore, #tpu.memory_space<semaphore_mem>>)
      %mul3A_176 = arith.constant 80 : i32
      %mul3A_177 = arith.muli %add3A_170, %mul3A_176 : i32
      %dma_start3A_178 = tpu.memref_slice %arg7[%mul3A_177] : memref<10000xi32, #tpu.memory_space<vmem>> -> memref<80xi32, #tpu.memory_space<vmem>>
      %dma_start3A_179 = arith.constant 0 : i32
      %dma_start3A_180 = arith.constant 0 : i32
      %dma_start3A_181 = tpu.memref_slice %arg2[%dma_start3A_179, %dma_start3A_180] : memref<10000x128xf32, #tpu.memory_space<hbm>> -> memref<10000x128xf32, #tpu.memory_space<hbm>>
      tpu.enqueue_indirect_dma source(%dma_start3A_181 : memref<10000x128xf32, #tpu.memory_space<hbm>>) target(%arg12 : memref<80x128xf32, #tpu.memory_space<vmem>>) offsets(%dma_start3A_178 : memref<80xi32, #tpu.memory_space<vmem>>) semaphore(%arg15 : memref<!tpu.dma_semaphore, #tpu.memory_space<semaphore_mem>>)
      %dma_start3A_182 = arith.constant 0 : i32
      %dma_start3A_183 = arith.constant 0 : i32
      %dma_start3A_184 = tpu.memref_slice %arg6[%dma_start3A_182, %dma_start3A_183] : memref<10000x128xf32, #tpu.memory_space<vmem_shared>> -> memref<10000x128xf32, #tpu.memory_space<vmem_shared>>
      tpu.enqueue_indirect_dma source(%arg13 : memref<80x128xf32, #tpu.memory_space<vmem>>) target(%dma_start3A_184 : memref<10000x128xf32, #tpu.memory_space<vmem_shared>>) offsets(%arg10 : memref<80xi32, #tpu.memory_space<vmem>>) semaphore(%arg19 : memref<!tpu.dma_semaphore, #tpu.memory_space<semaphore_mem>>) {add = true}
    }
    %scan3A_67 = arith.constant 41 : i32
    %dma_wait3A_68 = tpu.memref_slice %arg3[%add3A_6] : memref<640000xi32, #tpu.memory_space<hbm>> -> memref<80xi32, #tpu.memory_space<hbm>>
    %dma_wait3A_69 = tpu.memref_slice %arg3[%add3A_6] : memref<640000xi32, #tpu.memory_space<hbm>> -> memref<80xi32, #tpu.memory_space<hbm>>
    tpu.wait_dma2 semaphore(%arg14 : memref<!tpu.dma_semaphore, #tpu.memory_space<semaphore_mem>>) src(%dma_wait3A_69 : memref<80xi32, #tpu.memory_space<hbm>>) dst(%arg8 : memref<80xi32, #tpu.memory_space<vmem>>)
    %dma_wait3A_70 = arith.constant 0 : i32
    %dma_wait3A_71 = tpu.memref_slice %arg7[%dma_wait3A_70] : memref<10000xi32, #tpu.memory_space<vmem>> -> memref<80xi32, #tpu.memory_space<vmem>>
    %dma_wait3A_72 = arith.constant 0 : i32
    %dma_wait3A_73 = arith.constant 0 : i32
    %dma_wait3A_74 = tpu.memref_slice %arg2[%dma_wait3A_72, %dma_wait3A_73] : memref<10000x128xf32, #tpu.memory_space<hbm>> -> memref<10000x128xf32, #tpu.memory_space<hbm>>
    tpu.wait_indirect_dma semaphore(%arg14 : memref<!tpu.dma_semaphore, #tpu.memory_space<semaphore_mem>>) src(%dma_wait3A_74 : memref<10000x128xf32, #tpu.memory_space<hbm>>) dst(%arg11 : memref<80x128xf32, #tpu.memory_space<vmem>>)
    %dma_wait3A_75 = arith.constant 0 : i32
    %dma_wait3A_76 = arith.constant 0 : i32
    %dma_wait3A_77 = tpu.memref_slice %arg6[%dma_wait3A_75, %dma_wait3A_76] : memref<10000x128xf32, #tpu.memory_space<vmem_shared>> -> memref<10000x128xf32, #tpu.memory_space<vmem_shared>>
    tpu.wait_indirect_dma semaphore(%arg19 : memref<!tpu.dma_semaphore, #tpu.memory_space<semaphore_mem>>) src(%arg13 : memref<80x128xf32, #tpu.memory_space<vmem>>) dst(%dma_wait3A_77 : memref<10000x128xf32, #tpu.memory_space<vmem_shared>>)
    %dma_start3A_78 = arith.constant 0 : i32
    %dma_start3A_79 = arith.constant 0 : i32
    %dma_start3A_80 = tpu.memref_slice %arg6[%dma_start3A_78, %dma_start3A_79] : memref<10000x128xf32, #tpu.memory_space<vmem_shared>> -> memref<10000x128xf32, #tpu.memory_space<vmem_shared>>
    tpu.enqueue_indirect_dma source(%arg11 : memref<80x128xf32, #tpu.memory_space<vmem>>) target(%dma_start3A_80 : memref<10000x128xf32, #tpu.memory_space<vmem_shared>>) offsets(%arg8 : memref<80xi32, #tpu.memory_space<vmem>>) semaphore(%arg17 : memref<!tpu.dma_semaphore, #tpu.memory_space<semaphore_mem>>) {add = true}
    %dma_wait3A_81 = tpu.memref_slice %arg3[%add3A_6] : memref<640000xi32, #tpu.memory_space<hbm>> -> memref<80xi32, #tpu.memory_space<hbm>>
    %dma_wait3A_82 = tpu.memref_slice %arg3[%add3A_6] : memref<640000xi32, #tpu.memory_space<hbm>> -> memref<80xi32, #tpu.memory_space<hbm>>
    tpu.wait_dma2 semaphore(%arg15 : memref<!tpu.dma_semaphore, #tpu.memory_space<semaphore_mem>>) src(%dma_wait3A_82 : memref<80xi32, #tpu.memory_space<hbm>>) dst(%arg9 : memref<80xi32, #tpu.memory_space<vmem>>)
    %dma_wait3A_83 = arith.constant 0 : i32
    %dma_wait3A_84 = tpu.memref_slice %arg7[%dma_wait3A_83] : memref<10000xi32, #tpu.memory_space<vmem>> -> memref<80xi32, #tpu.memory_space<vmem>>
    %dma_wait3A_85 = arith.constant 0 : i32
    %dma_wait3A_86 = arith.constant 0 : i32
    %dma_wait3A_87 = tpu.memref_slice %arg2[%dma_wait3A_85, %dma_wait3A_86] : memref<10000x128xf32, #tpu.memory_space<hbm>> -> memref<10000x128xf32, #tpu.memory_space<hbm>>
    tpu.wait_indirect_dma semaphore(%arg15 : memref<!tpu.dma_semaphore, #tpu.memory_space<semaphore_mem>>) src(%dma_wait3A_87 : memref<10000x128xf32, #tpu.memory_space<hbm>>) dst(%arg12 : memref<80x128xf32, #tpu.memory_space<vmem>>)
    %dma_wait3A_88 = arith.constant 0 : i32
    %dma_wait3A_89 = arith.constant 0 : i32
    %dma_wait3A_90 = tpu.memref_slice %arg6[%dma_wait3A_88, %dma_wait3A_89] : memref<10000x128xf32, #tpu.memory_space<vmem_shared>> -> memref<10000x128xf32, #tpu.memory_space<vmem_shared>>
    tpu.wait_indirect_dma semaphore(%arg17 : memref<!tpu.dma_semaphore, #tpu.memory_space<semaphore_mem>>) src(%arg11 : memref<80x128xf32, #tpu.memory_space<vmem>>) dst(%dma_wait3A_90 : memref<10000x128xf32, #tpu.memory_space<vmem_shared>>)
    %dma_start3A_91 = arith.constant 0 : i32
    %dma_start3A_92 = arith.constant 0 : i32
    %dma_start3A_93 = tpu.memref_slice %arg6[%dma_start3A_91, %dma_start3A_92] : memref<10000x128xf32, #tpu.memory_space<vmem_shared>> -> memref<10000x128xf32, #tpu.memory_space<vmem_shared>>
    tpu.enqueue_indirect_dma source(%arg12 : memref<80x128xf32, #tpu.memory_space<vmem>>) target(%dma_start3A_93 : memref<10000x128xf32, #tpu.memory_space<vmem_shared>>) offsets(%arg9 : memref<80xi32, #tpu.memory_space<vmem>>) semaphore(%arg18 : memref<!tpu.dma_semaphore, #tpu.memory_space<semaphore_mem>>) {add = true}
    %dma_wait3A_94 = arith.constant 0 : i32
    %dma_wait3A_95 = arith.constant 0 : i32
    %dma_wait3A_96 = tpu.memref_slice %arg6[%dma_wait3A_94, %dma_wait3A_95] : memref<10000x128xf32, #tpu.memory_space<vmem_shared>> -> memref<10000x128xf32, #tpu.memory_space<vmem_shared>>
    tpu.wait_indirect_dma semaphore(%arg18 : memref<!tpu.dma_semaphore, #tpu.memory_space<semaphore_mem>>) src(%arg12 : memref<80x128xf32, #tpu.memory_space<vmem>>) dst(%dma_wait3A_96 : memref<10000x128xf32, #tpu.memory_space<vmem_shared>>)
    %barrier3A_97 = arith.constant 0 : index
    tpu.barrier barrier_id(%barrier3A_97)
    "tpu.region"() ({
      %run_scoped3A = tpu.sem_alloc : memref<!tpu.dma_semaphore, #tpu.memory_space<semaphore_mem>>
      %dma_start3A_103 = arith.constant 0 : i32
      %dma_start3A_104 = tpu.memref_slice %arg5[%arg0, %mul3A_2, %dma_start3A_103] : memref<2x10000x128xf32, #tpu.memory_space<hbm>> -> memref<1x624x128xf32, #tpu.memory_space<hbm>>
      %dma_start3A_105 = tpu.memref_squeeze %dma_start3A_104 : memref<1x624x128xf32, #tpu.memory_space<hbm>> -> memref<624x128xf32, #tpu.memory_space<hbm>>
      %dma_start3A_106 = arith.constant 0 : i32
      %dma_start3A_107 = tpu.memref_slice %arg6[%mul3A_2, %dma_start3A_106] : memref<10000x128xf32, #tpu.memory_space<vmem_shared>> -> memref<624x128xf32, #tpu.memory_space<vmem_shared>>
      tpu.enqueue_dma source(%dma_start3A_107 : memref<624x128xf32, #tpu.memory_space<vmem_shared>>) target(%dma_start3A_105 : memref<624x128xf32, #tpu.memory_space<hbm>>) target_semaphore(%run_scoped3A : memref<!tpu.dma_semaphore, #tpu.memory_space<semaphore_mem>>)
      %dma_wait3A_108 = arith.constant 0 : i32
      %dma_wait3A_109 = tpu.memref_slice %arg5[%arg0, %mul3A_2, %dma_wait3A_108] : memref<2x10000x128xf32, #tpu.memory_space<hbm>> -> memref<1x624x128xf32, #tpu.memory_space<hbm>>
      %dma_wait3A_110 = tpu.memref_squeeze %dma_wait3A_109 : memref<1x624x128xf32, #tpu.memory_space<hbm>> -> memref<624x128xf32, #tpu.memory_space<hbm>>
      %dma_wait3A_111 = arith.constant 0 : i32
      %dma_wait3A_112 = tpu.memref_slice %arg6[%mul3A_2, %dma_wait3A_111] : memref<10000x128xf32, #tpu.memory_space<vmem_shared>> -> memref<624x128xf32, #tpu.memory_space<vmem_shared>>
      tpu.wait_dma2 semaphore(%run_scoped3A : memref<!tpu.dma_semaphore, #tpu.memory_space<semaphore_mem>>) src(%dma_wait3A_112 : memref<624x128xf32, #tpu.memory_space<vmem_shared>>) dst(%dma_wait3A_110 : memref<624x128xf32, #tpu.memory_space<hbm>>)
      tpu.yield
    }) : () -> ()
    %eq3A_98 = arith.constant 15 : i32
    %eq3A_99 = arith.cmpi eq, %arg1, %eq3A_98 : i32
    %convert_element_type3A_100 = arith.extui %eq3A_99 : i1 to i32
    %cond3A_101 = arith.constant 0 : i32
    %cond3A_102 = arith.cmpi ne, %convert_element_type3A_100, %cond3A_101 : i32
    scf.if %cond3A_102 {
      "tpu.region"() ({
        %run_scoped3A = tpu.sem_alloc : memref<!tpu.dma_semaphore, #tpu.memory_space<semaphore_mem>>
        %dma_start3A_103 = arith.constant 9984 : i32
        %dma_start3A_104 = arith.constant 0 : i32
        %dma_start3A_105 = tpu.memref_slice %arg5[%arg0, %dma_start3A_103, %dma_start3A_104] : memref<2x10000x128xf32, #tpu.memory_space<hbm>> -> memref<1x16x128xf32, #tpu.memory_space<hbm>>
        %dma_start3A_106 = tpu.memref_squeeze %dma_start3A_105 : memref<1x16x128xf32, #tpu.memory_space<hbm>> -> memref<16x128xf32, #tpu.memory_space<hbm>>
        %dma_start3A_107 = arith.constant 9984 : i32
        %dma_start3A_108 = arith.constant 0 : i32
        %dma_start3A_109 = tpu.memref_slice %arg6[%dma_start3A_107, %dma_start3A_108] : memref<10000x128xf32, #tpu.memory_space<vmem_shared>> -> memref<16x128xf32, #tpu.memory_space<vmem_shared>>
        tpu.enqueue_dma source(%dma_start3A_109 : memref<16x128xf32, #tpu.memory_space<vmem_shared>>) target(%dma_start3A_106 : memref<16x128xf32, #tpu.memory_space<hbm>>) target_semaphore(%run_scoped3A : memref<!tpu.dma_semaphore, #tpu.memory_space<semaphore_mem>>)
        %dma_wait3A_110 = arith.constant 9984 : i32
        %dma_wait3A_111 = arith.constant 0 : i32
        %dma_wait3A_112 = tpu.memref_slice %arg5[%arg0, %dma_wait3A_110, %dma_wait3A_111] : memref<2x10000x128xf32, #tpu.memory_space<hbm>> -> memref<1x16x128xf32, #tpu.memory_space<hbm>>
        %dma_wait3A_113 = tpu.memref_squeeze %dma_wait3A_112 : memref<1x16x128xf32, #tpu.memory_space<hbm>> -> memref<16x128xf32, #tpu.memory_space<hbm>>
        %dma_wait3A_114 = arith.constant 9984 : i32
        %dma_wait3A_115 = arith.constant 0 : i32
        %dma_wait3A_116 = tpu.memref_slice %arg6[%dma_wait3A_114, %dma_wait3A_115] : memref<10000x128xf32, #tpu.memory_space<vmem_shared>> -> memref<16x128xf32, #tpu.memory_space<vmem_shared>>
        tpu.wait_dma2 semaphore(%run_scoped3A : memref<!tpu.dma_semaphore, #tpu.memory_space<semaphore_mem>>) src(%dma_wait3A_116 : memref<16x128xf32, #tpu.memory_space<vmem_shared>>) dst(%dma_wait3A_113 : memref<16x128xf32, #tpu.memory_space<hbm>>)
        tpu.yield
      }) : () -> ()
    } else {
    }
    return
  }
}

#map = affine_map<(d0, d1) -> (0, 0)>
#map1 = affine_map<(d0, d1) -> (0)>
#map2 = affine_map<(d0, d1) -> (0, 0, 0)>
module attributes {stable_mosaic.version = 14 : i64} {
  func.func @seg_kernel(%arg0: i32, %arg1: i32, %arg2: memref<10000x128xf32, #tpu.memory_space<hbm>>, %arg3: memref<640000xi32, #tpu.memory_space<hbm>>, %arg4: memref<208x128xf32, #tpu.memory_space<hbm>>, %arg5: memref<2x10000x128xf32, #tpu.memory_space<hbm>>, %arg6: memref<10000x128xf32, #tpu.memory_space<vmem_shared>>, %arg7: memref<10000xi32, #tpu.memory_space<vmem>>, %arg8: memref<80xi32, #tpu.memory_space<vmem>>, %arg9: memref<80xi32, #tpu.memory_space<vmem>>, %arg10: memref<80xi32, #tpu.memory_space<vmem>>, %arg11: memref<80x128xf32, #tpu.memory_space<vmem>>, %arg12: memref<80x128xf32, #tpu.memory_space<vmem>>, %arg13: memref<80x128xf32, #tpu.memory_space<vmem>>, %arg14: memref<!tpu.dma_semaphore, #tpu.memory_space<semaphore_mem>>, %arg15: memref<!tpu.dma_semaphore, #tpu.memory_space<semaphore_mem>>, %arg16: memref<!tpu.dma_semaphore, #tpu.memory_space<semaphore_mem>>, %arg17: memref<!tpu.dma_semaphore, #tpu.memory_space<semaphore_mem>>, %arg18: memref<!tpu.dma_semaphore, #tpu.memory_space<semaphore_mem>>, %arg19: memref<!tpu.dma_semaphore, #tpu.memory_space<semaphore_mem>>, %arg20: memref<!tpu.dma_semaphore, #tpu.memory_space<semaphore_mem>>) attributes {dimension_semantics = [#tpu.dimension_semantics<core_parallel>, #tpu.dimension_semantics<subcore_parallel>], iteration_bounds = array<i64: 2, 16>, scalar_prefetch = 0 : i64, scratch_operands = 15 : i64, tpu.core_type = #tpu.core_type<sc_vector_subcore>, window_params = [{transform_indices = #map}, {transform_indices = #map1}, {transform_indices = #map}, {transform_indices = #map2}]} {
    %mul3A = arith.constant 16 : i32
    %mul3A_0 = arith.muli %arg0, %mul3A : i32
    %add3A = arith.addi %mul3A_0, %arg1 : i32
    %mul3A_1 = arith.constant 624 : i32
    %mul3A_2 = arith.muli %arg1, %mul3A_1 : i32
    %mul3A_3 = arith.constant 10000 : i32
    %mul3A_4 = arith.muli %add3A, %mul3A_3 : i32
    %add3A_5 = arith.constant 320000 : i32
    %add3A_6 = arith.addi %add3A_5, %mul3A_4 : i32
    "tpu.region"() ({
      %run_scoped3A = tpu.sem_alloc : memref<!tpu.dma_semaphore, #tpu.memory_space<semaphore_mem>>
      %dma_start3A_103 = tpu.memref_slice %arg3[%mul3A_4] : memref<640000xi32, #tpu.memory_space<hbm>> -> memref<10000xi32, #tpu.memory_space<hbm>>
      %dma_start3A_104 = tpu.memref_slice %arg3[%mul3A_4] : memref<640000xi32, #tpu.memory_space<hbm>> -> memref<10000xi32, #tpu.memory_space<hbm>>
      tpu.enqueue_dma source(%dma_start3A_104 : memref<10000xi32, #tpu.memory_space<hbm>>) target(%arg7 : memref<10000xi32, #tpu.memory_space<vmem>>) target_semaphore(%run_scoped3A : memref<!tpu.dma_semaphore, #tpu.memory_space<semaphore_mem>>)
      %dma_wait3A_105 = tpu.memref_slice %arg3[%mul3A_4] : memref<640000xi32, #tpu.memory_space<hbm>> -> memref<10000xi32, #tpu.memory_space<hbm>>
      %dma_wait3A_106 = tpu.memref_slice %arg3[%mul3A_4] : memref<640000xi32, #tpu.memory_space<hbm>> -> memref<10000xi32, #tpu.memory_space<hbm>>
      tpu.wait_dma2 semaphore(%run_scoped3A : memref<!tpu.dma_semaphore, #tpu.memory_space<semaphore_mem>>) src(%dma_wait3A_106 : memref<10000xi32, #tpu.memory_space<hbm>>) dst(%arg7 : memref<10000xi32, #tpu.memory_space<vmem>>)
      tpu.yield
    }) : () -> ()
    %add3A_7 = arith.constant 0 : i32
    %add3A_8 = arith.addi %add3A_6, %add3A_7 : i32
    %dma_start3A = tpu.memref_slice %arg3[%add3A_8] : memref<640000xi32, #tpu.memory_space<hbm>> -> memref<80xi32, #tpu.memory_space<hbm>>
    %dma_start3A_9 = tpu.memref_slice %arg3[%add3A_8] : memref<640000xi32, #tpu.memory_space<hbm>> -> memref<80xi32, #tpu.memory_space<hbm>>
    tpu.enqueue_dma source(%dma_start3A_9 : memref<80xi32, #tpu.memory_space<hbm>>) target(%arg8 : memref<80xi32, #tpu.memory_space<vmem>>) target_semaphore(%arg14 : memref<!tpu.dma_semaphore, #tpu.memory_space<semaphore_mem>>)
    %dma_start3A_10 = arith.constant 0 : i32
    %dma_start3A_11 = tpu.memref_slice %arg7[%dma_start3A_10] : memref<10000xi32, #tpu.memory_space<vmem>> -> memref<80xi32, #tpu.memory_space<vmem>>
    %dma_start3A_12 = arith.constant 0 : i32
    %dma_start3A_13 = arith.constant 0 : i32
    %dma_start3A_14 = tpu.memref_slice %arg2[%dma_start3A_12, %dma_start3A_13] : memref<10000x128xf32, #tpu.memory_space<hbm>> -> memref<10000x128xf32, #tpu.memory_space<hbm>>
    tpu.enqueue_indirect_dma source(%dma_start3A_14 : memref<10000x128xf32, #tpu.memory_space<hbm>>) target(%arg11 : memref<80x128xf32, #tpu.memory_space<vmem>>) offsets(%dma_start3A_11 : memref<80xi32, #tpu.memory_space<vmem>>) semaphore(%arg14 : memref<!tpu.dma_semaphore, #tpu.memory_space<semaphore_mem>>)
    %add3A_15 = arith.constant 80 : i32
    %add3A_16 = arith.addi %add3A_6, %add3A_15 : i32
    %dma_start3A_17 = tpu.memref_slice %arg3[%add3A_16] : memref<640000xi32, #tpu.memory_space<hbm>> -> memref<80xi32, #tpu.memory_space<hbm>>
    %dma_start3A_18 = tpu.memref_slice %arg3[%add3A_16] : memref<640000xi32, #tpu.memory_space<hbm>> -> memref<80xi32, #tpu.memory_space<hbm>>
    tpu.enqueue_dma source(%dma_start3A_18 : memref<80xi32, #tpu.memory_space<hbm>>) target(%arg9 : memref<80xi32, #tpu.memory_space<vmem>>) target_semaphore(%arg15 : memref<!tpu.dma_semaphore, #tpu.memory_space<semaphore_mem>>)
    %dma_start3A_19 = arith.constant 80 : i32
    %dma_start3A_20 = tpu.memref_slice %arg7[%dma_start3A_19] : memref<10000xi32, #tpu.memory_space<vmem>> -> memref<80xi32, #tpu.memory_space<vmem>>
    %dma_start3A_21 = arith.constant 0 : i32
    %dma_start3A_22 = arith.constant 0 : i32
    %dma_start3A_23 = tpu.memref_slice %arg2[%dma_start3A_21, %dma_start3A_22] : memref<10000x128xf32, #tpu.memory_space<hbm>> -> memref<10000x128xf32, #tpu.memory_space<hbm>>
    tpu.enqueue_indirect_dma source(%dma_start3A_23 : memref<10000x128xf32, #tpu.memory_space<hbm>>) target(%arg12 : memref<80x128xf32, #tpu.memory_space<vmem>>) offsets(%dma_start3A_20 : memref<80xi32, #tpu.memory_space<vmem>>) semaphore(%arg15 : memref<!tpu.dma_semaphore, #tpu.memory_space<semaphore_mem>>)
    %add3A_24 = arith.constant 160 : i32
    %add3A_25 = arith.addi %add3A_6, %add3A_24 : i32
    %dma_start3A_26 = tpu.memref_slice %arg3[%add3A_25] : memref<640000xi32, #tpu.memory_space<hbm>> -> memref<80xi32, #tpu.memory_space<hbm>>
    %dma_start3A_27 = tpu.memref_slice %arg3[%add3A_25] : memref<640000xi32, #tpu.memory_space<hbm>> -> memref<80xi32, #tpu.memory_space<hbm>>
    tpu.enqueue_dma source(%dma_start3A_27 : memref<80xi32, #tpu.memory_space<hbm>>) target(%arg10 : memref<80xi32, #tpu.memory_space<vmem>>) target_semaphore(%arg16 : memref<!tpu.dma_semaphore, #tpu.memory_space<semaphore_mem>>)
    %dma_start3A_28 = arith.constant 160 : i32
    %dma_start3A_29 = tpu.memref_slice %arg7[%dma_start3A_28] : memref<10000xi32, #tpu.memory_space<vmem>> -> memref<80xi32, #tpu.memory_space<vmem>>
    %dma_start3A_30 = arith.constant 0 : i32
    %dma_start3A_31 = arith.constant 0 : i32
    %dma_start3A_32 = tpu.memref_slice %arg2[%dma_start3A_30, %dma_start3A_31] : memref<10000x128xf32, #tpu.memory_space<hbm>> -> memref<10000x128xf32, #tpu.memory_space<hbm>>
    tpu.enqueue_indirect_dma source(%dma_start3A_32 : memref<10000x128xf32, #tpu.memory_space<hbm>>) target(%arg13 : memref<80x128xf32, #tpu.memory_space<vmem>>) offsets(%dma_start3A_29 : memref<80xi32, #tpu.memory_space<vmem>>) semaphore(%arg16 : memref<!tpu.dma_semaphore, #tpu.memory_space<semaphore_mem>>)
    %add3A_33 = arith.constant 0 : i32
    %add3A_34 = arith.addi %mul3A_2, %add3A_33 : i32
    %dma_start3A_35 = arith.constant 0 : i32
    %dma_start3A_36 = tpu.memref_slice %arg6[%add3A_34, %dma_start3A_35] : memref<10000x128xf32, #tpu.memory_space<vmem_shared>> -> memref<208x128xf32, #tpu.memory_space<vmem_shared>>
    tpu.enqueue_dma source(%arg4 : memref<208x128xf32, #tpu.memory_space<hbm>>) target(%dma_start3A_36 : memref<208x128xf32, #tpu.memory_space<vmem_shared>>) target_semaphore(%arg20 : memref<!tpu.dma_semaphore, #tpu.memory_space<semaphore_mem>>)
    %add3A_37 = arith.constant 208 : i32
    %add3A_38 = arith.addi %mul3A_2, %add3A_37 : i32
    %dma_start3A_39 = arith.constant 0 : i32
    %dma_start3A_40 = tpu.memref_slice %arg6[%add3A_38, %dma_start3A_39] : memref<10000x128xf32, #tpu.memory_space<vmem_shared>> -> memref<208x128xf32, #tpu.memory_space<vmem_shared>>
    tpu.enqueue_dma source(%arg4 : memref<208x128xf32, #tpu.memory_space<hbm>>) target(%dma_start3A_40 : memref<208x128xf32, #tpu.memory_space<vmem_shared>>) target_semaphore(%arg20 : memref<!tpu.dma_semaphore, #tpu.memory_space<semaphore_mem>>)
    %add3A_41 = arith.constant 416 : i32
    %add3A_42 = arith.addi %mul3A_2, %add3A_41 : i32
    %dma_start3A_43 = arith.constant 0 : i32
    %dma_start3A_44 = tpu.memref_slice %arg6[%add3A_42, %dma_start3A_43] : memref<10000x128xf32, #tpu.memory_space<vmem_shared>> -> memref<208x128xf32, #tpu.memory_space<vmem_shared>>
    tpu.enqueue_dma source(%arg4 : memref<208x128xf32, #tpu.memory_space<hbm>>) target(%dma_start3A_44 : memref<208x128xf32, #tpu.memory_space<vmem_shared>>) target_semaphore(%arg20 : memref<!tpu.dma_semaphore, #tpu.memory_space<semaphore_mem>>)
    %eq3A = arith.constant 15 : i32
    %eq3A_45 = arith.cmpi eq, %arg1, %eq3A : i32
    %convert_element_type3A = arith.extui %eq3A_45 : i1 to i32
    %cond3A = arith.constant 0 : i32
    %cond3A_46 = arith.cmpi ne, %convert_element_type3A, %cond3A : i32
    scf.if %cond3A_46 {
      %dma_start3A_103 = arith.constant 9984 : i32
      %dma_start3A_104 = arith.constant 0 : i32
      %dma_start3A_105 = tpu.memref_slice %arg6[%dma_start3A_103, %dma_start3A_104] : memref<10000x128xf32, #tpu.memory_space<vmem_shared>> -> memref<16x128xf32, #tpu.memory_space<vmem_shared>>
      %dma_start3A_106 = arith.constant 0 : i32
      %dma_start3A_107 = arith.constant 0 : i32
      %dma_start3A_108 = tpu.memref_slice %arg4[%dma_start3A_106, %dma_start3A_107] : memref<208x128xf32, #tpu.memory_space<hbm>> -> memref<16x128xf32, #tpu.memory_space<hbm>>
      tpu.enqueue_dma source(%dma_start3A_108 : memref<16x128xf32, #tpu.memory_space<hbm>>) target(%dma_start3A_105 : memref<16x128xf32, #tpu.memory_space<vmem_shared>>) target_semaphore(%arg20 : memref<!tpu.dma_semaphore, #tpu.memory_space<semaphore_mem>>)
    } else {
    }
    %add3A_47 = arith.constant 0 : i32
    %add3A_48 = arith.addi %mul3A_2, %add3A_47 : i32
    %dma_wait3A = arith.constant 0 : i32
    %dma_wait3A_49 = tpu.memref_slice %arg6[%add3A_48, %dma_wait3A] : memref<10000x128xf32, #tpu.memory_space<vmem_shared>> -> memref<208x128xf32, #tpu.memory_space<vmem_shared>>
    tpu.wait_dma2 semaphore(%arg20 : memref<!tpu.dma_semaphore, #tpu.memory_space<semaphore_mem>>) src(%arg4 : memref<208x128xf32, #tpu.memory_space<hbm>>) dst(%dma_wait3A_49 : memref<208x128xf32, #tpu.memory_space<vmem_shared>>)
    %add3A_50 = arith.constant 208 : i32
    %add3A_51 = arith.addi %mul3A_2, %add3A_50 : i32
    %dma_wait3A_52 = arith.constant 0 : i32
    %dma_wait3A_53 = tpu.memref_slice %arg6[%add3A_51, %dma_wait3A_52] : memref<10000x128xf32, #tpu.memory_space<vmem_shared>> -> memref<208x128xf32, #tpu.memory_space<vmem_shared>>
    tpu.wait_dma2 semaphore(%arg20 : memref<!tpu.dma_semaphore, #tpu.memory_space<semaphore_mem>>) src(%arg4 : memref<208x128xf32, #tpu.memory_space<hbm>>) dst(%dma_wait3A_53 : memref<208x128xf32, #tpu.memory_space<vmem_shared>>)
    %add3A_54 = arith.constant 416 : i32
    %add3A_55 = arith.addi %mul3A_2, %add3A_54 : i32
    %dma_wait3A_56 = arith.constant 0 : i32
    %dma_wait3A_57 = tpu.memref_slice %arg6[%add3A_55, %dma_wait3A_56] : memref<10000x128xf32, #tpu.memory_space<vmem_shared>> -> memref<208x128xf32, #tpu.memory_space<vmem_shared>>
    tpu.wait_dma2 semaphore(%arg20 : memref<!tpu.dma_semaphore, #tpu.memory_space<semaphore_mem>>) src(%arg4 : memref<208x128xf32, #tpu.memory_space<hbm>>) dst(%dma_wait3A_57 : memref<208x128xf32, #tpu.memory_space<vmem_shared>>)
    %eq3A_58 = arith.constant 15 : i32
    %eq3A_59 = arith.cmpi eq, %arg1, %eq3A_58 : i32
    %convert_element_type3A_60 = arith.extui %eq3A_59 : i1 to i32
    %cond3A_61 = arith.constant 0 : i32
    %cond3A_62 = arith.cmpi ne, %convert_element_type3A_60, %cond3A_61 : i32
    scf.if %cond3A_62 {
      %dma_wait3A_103 = arith.constant 9984 : i32
      %dma_wait3A_104 = arith.constant 0 : i32
      %dma_wait3A_105 = tpu.memref_slice %arg6[%dma_wait3A_103, %dma_wait3A_104] : memref<10000x128xf32, #tpu.memory_space<vmem_shared>> -> memref<16x128xf32, #tpu.memory_space<vmem_shared>>
      %dma_wait3A_106 = arith.constant 0 : i32
      %dma_wait3A_107 = arith.constant 0 : i32
      %dma_wait3A_108 = tpu.memref_slice %arg4[%dma_wait3A_106, %dma_wait3A_107] : memref<208x128xf32, #tpu.memory_space<hbm>> -> memref<16x128xf32, #tpu.memory_space<hbm>>
      tpu.wait_dma2 semaphore(%arg20 : memref<!tpu.dma_semaphore, #tpu.memory_space<semaphore_mem>>) src(%dma_wait3A_108 : memref<16x128xf32, #tpu.memory_space<hbm>>) dst(%dma_wait3A_105 : memref<16x128xf32, #tpu.memory_space<vmem_shared>>)
    } else {
    }
    %barrier3A = arith.constant 0 : index
    tpu.barrier barrier_id(%barrier3A)
    %scan3A = arith.constant 0 : i32
    %scan3A_63 = arith.constant 0 : i32
    %scan3A_64 = arith.constant 41 : i32
    %scan3A_65 = arith.addi %scan3A_63, %scan3A_64 : i32
    %scan3A_66 = arith.constant 1 : i32
    scf.for %scan3A_103 = %scan3A_63 to %scan3A_65 step %scan3A_66  : i32 {
      %mul3A_104 = arith.constant 3 : i32
      %mul3A_105 = arith.muli %scan3A_103, %mul3A_104 : i32
      %add3A_106 = arith.constant 0 : i32
      %add3A_107 = arith.addi %mul3A_105, %add3A_106 : i32
      %dma_wait3A_108 = tpu.memref_slice %arg3[%add3A_6] : memref<640000xi32, #tpu.memory_space<hbm>> -> memref<80xi32, #tpu.memory_space<hbm>>
      %dma_wait3A_109 = tpu.memref_slice %arg3[%add3A_6] : memref<640000xi32, #tpu.memory_space<hbm>> -> memref<80xi32, #tpu.memory_space<hbm>>
      tpu.wait_dma2 semaphore(%arg14 : memref<!tpu.dma_semaphore, #tpu.memory_space<semaphore_mem>>) src(%dma_wait3A_109 : memref<80xi32, #tpu.memory_space<hbm>>) dst(%arg8 : memref<80xi32, #tpu.memory_space<vmem>>)
      %dma_wait3A_110 = arith.constant 0 : i32
      %dma_wait3A_111 = tpu.memref_slice %arg7[%dma_wait3A_110] : memref<10000xi32, #tpu.memory_space<vmem>> -> memref<80xi32, #tpu.memory_space<vmem>>
      %dma_wait3A_112 = arith.constant 0 : i32
      %dma_wait3A_113 = arith.constant 0 : i32
      %dma_wait3A_114 = tpu.memref_slice %arg2[%dma_wait3A_112, %dma_wait3A_113] : memref<10000x128xf32, #tpu.memory_space<hbm>> -> memref<10000x128xf32, #tpu.memory_space<hbm>>
      tpu.wait_indirect_dma semaphore(%arg14 : memref<!tpu.dma_semaphore, #tpu.memory_space<semaphore_mem>>) src(%dma_wait3A_114 : memref<10000x128xf32, #tpu.memory_space<hbm>>) dst(%arg11 : memref<80x128xf32, #tpu.memory_space<vmem>>)
      %gt3A = arith.constant 0 : i32
      %gt3A_115 = arith.cmpi sgt, %scan3A_103, %gt3A : i32
      %convert_element_type3A_116 = arith.extui %gt3A_115 : i1 to i32
      %cond3A_117 = arith.constant 0 : i32
      %cond3A_118 = arith.cmpi ne, %convert_element_type3A_116, %cond3A_117 : i32
      scf.if %cond3A_118 {
        %dma_wait3A_185 = arith.constant 0 : i32
        %dma_wait3A_186 = arith.constant 0 : i32
        %dma_wait3A_187 = tpu.memref_slice %arg6[%dma_wait3A_185, %dma_wait3A_186] : memref<10000x128xf32, #tpu.memory_space<vmem_shared>> -> memref<10000x128xf32, #tpu.memory_space<vmem_shared>>
        tpu.wait_indirect_dma semaphore(%arg19 : memref<!tpu.dma_semaphore, #tpu.memory_space<semaphore_mem>>) src(%arg13 : memref<80x128xf32, #tpu.memory_space<vmem>>) dst(%dma_wait3A_187 : memref<10000x128xf32, #tpu.memory_space<vmem_shared>>)
        %sub3A_188 = arith.constant 1 : i32
        %sub3A_189 = arith.subi %add3A_107, %sub3A_188 : i32
        %add3A_190 = arith.constant 3 : i32
        %add3A_191 = arith.addi %sub3A_189, %add3A_190 : i32
        %mul3A_192 = arith.constant 80 : i32
        %mul3A_193 = arith.muli %add3A_191, %mul3A_192 : i32
        %add3A_194 = arith.addi %add3A_6, %mul3A_193 : i32
        %dma_start3A_195 = tpu.memref_slice %arg3[%add3A_194] : memref<640000xi32, #tpu.memory_space<hbm>> -> memref<80xi32, #tpu.memory_space<hbm>>
        %dma_start3A_196 = tpu.memref_slice %arg3[%add3A_194] : memref<640000xi32, #tpu.memory_space<hbm>> -> memref<80xi32, #tpu.memory_space<hbm>>
        tpu.enqueue_dma source(%dma_start3A_196 : memref<80xi32, #tpu.memory_space<hbm>>) target(%arg10 : memref<80xi32, #tpu.memory_space<vmem>>) target_semaphore(%arg16 : memref<!tpu.dma_semaphore, #tpu.memory_space<semaphore_mem>>)
        %mul3A_197 = arith.constant 80 : i32
        %mul3A_198 = arith.muli %add3A_191, %mul3A_197 : i32
        %dma_start3A_199 = tpu.memref_slice %arg7[%mul3A_198] : memref<10000xi32, #tpu.memory_space<vmem>> -> memref<80xi32, #tpu.memory_space<vmem>>
        %dma_start3A_200 = arith.constant 0 : i32
        %dma_start3A_201 = arith.constant 0 : i32
        %dma_start3A_202 = tpu.memref_slice %arg2[%dma_start3A_200, %dma_start3A_201] : memref<10000x128xf32, #tpu.memory_space<hbm>> -> memref<10000x128xf32, #tpu.memory_space<hbm>>
        tpu.enqueue_indirect_dma source(%dma_start3A_202 : memref<10000x128xf32, #tpu.memory_space<hbm>>) target(%arg13 : memref<80x128xf32, #tpu.memory_space<vmem>>) offsets(%dma_start3A_199 : memref<80xi32, #tpu.memory_space<vmem>>) semaphore(%arg16 : memref<!tpu.dma_semaphore, #tpu.memory_space<semaphore_mem>>)
      } else {
      }
      %dma_start3A_119 = arith.constant 0 : i32
      %dma_start3A_120 = arith.constant 0 : i32
      %dma_start3A_121 = tpu.memref_slice %arg6[%dma_start3A_119, %dma_start3A_120] : memref<10000x128xf32, #tpu.memory_space<vmem_shared>> -> memref<10000x128xf32, #tpu.memory_space<vmem_shared>>
      tpu.enqueue_indirect_dma source(%arg11 : memref<80x128xf32, #tpu.memory_space<vmem>>) target(%dma_start3A_121 : memref<10000x128xf32, #tpu.memory_space<vmem_shared>>) offsets(%arg8 : memref<80xi32, #tpu.memory_space<vmem>>) semaphore(%arg17 : memref<!tpu.dma_semaphore, #tpu.memory_space<semaphore_mem>>) {add = true}
      %mul3A_122 = arith.constant 3 : i32
      %mul3A_123 = arith.muli %scan3A_103, %mul3A_122 : i32
      %add3A_124 = arith.constant 1 : i32
      %add3A_125 = arith.addi %mul3A_123, %add3A_124 : i32
      %dma_wait3A_126 = tpu.memref_slice %arg3[%add3A_6] : memref<640000xi32, #tpu.memory_space<hbm>> -> memref<80xi32, #tpu.memory_space<hbm>>
      %dma_wait3A_127 = tpu.memref_slice %arg3[%add3A_6] : memref<640000xi32, #tpu.memory_space<hbm>> -> memref<80xi32, #tpu.memory_space<hbm>>
      tpu.wait_dma2 semaphore(%arg15 : memref<!tpu.dma_semaphore, #tpu.memory_space<semaphore_mem>>) src(%dma_wait3A_127 : memref<80xi32, #tpu.memory_space<hbm>>) dst(%arg9 : memref<80xi32, #tpu.memory_space<vmem>>)
      %dma_wait3A_128 = arith.constant 0 : i32
      %dma_wait3A_129 = tpu.memref_slice %arg7[%dma_wait3A_128] : memref<10000xi32, #tpu.memory_space<vmem>> -> memref<80xi32, #tpu.memory_space<vmem>>
      %dma_wait3A_130 = arith.constant 0 : i32
      %dma_wait3A_131 = arith.constant 0 : i32
      %dma_wait3A_132 = tpu.memref_slice %arg2[%dma_wait3A_130, %dma_wait3A_131] : memref<10000x128xf32, #tpu.memory_space<hbm>> -> memref<10000x128xf32, #tpu.memory_space<hbm>>
      tpu.wait_indirect_dma semaphore(%arg15 : memref<!tpu.dma_semaphore, #tpu.memory_space<semaphore_mem>>) src(%dma_wait3A_132 : memref<10000x128xf32, #tpu.memory_space<hbm>>) dst(%arg12 : memref<80x128xf32, #tpu.memory_space<vmem>>)
      %dma_wait3A_133 = arith.constant 0 : i32
      %dma_wait3A_134 = arith.constant 0 : i32
      %dma_wait3A_135 = tpu.memref_slice %arg6[%dma_wait3A_133, %dma_wait3A_134] : memref<10000x128xf32, #tpu.memory_space<vmem_shared>> -> memref<10000x128xf32, #tpu.memory_space<vmem_shared>>
      tpu.wait_indirect_dma semaphore(%arg17 : memref<!tpu.dma_semaphore, #tpu.memory_space<semaphore_mem>>) src(%arg11 : memref<80x128xf32, #tpu.memory_space<vmem>>) dst(%dma_wait3A_135 : memref<10000x128xf32, #tpu.memory_space<vmem_shared>>)
      %sub3A = arith.constant 1 : i32
      %sub3A_136 = arith.subi %add3A_125, %sub3A : i32
      %add3A_137 = arith.constant 3 : i32
      %add3A_138 = arith.addi %sub3A_136, %add3A_137 : i32
      %mul3A_139 = arith.constant 80 : i32
      %mul3A_140 = arith.muli %add3A_138, %mul3A_139 : i32
      %add3A_141 = arith.addi %add3A_6, %mul3A_140 : i32
      %dma_start3A_142 = tpu.memref_slice %arg3[%add3A_141] : memref<640000xi32, #tpu.memory_space<hbm>> -> memref<80xi32, #tpu.memory_space<hbm>>
      %dma_start3A_143 = tpu.memref_slice %arg3[%add3A_141] : memref<640000xi32, #tpu.memory_space<hbm>> -> memref<80xi32, #tpu.memory_space<hbm>>
      tpu.enqueue_dma source(%dma_start3A_143 : memref<80xi32, #tpu.memory_space<hbm>>) target(%arg8 : memref<80xi32, #tpu.memory_space<vmem>>) target_semaphore(%arg14 : memref<!tpu.dma_semaphore, #tpu.memory_space<semaphore_mem>>)
      %mul3A_144 = arith.constant 80 : i32
      %mul3A_145 = arith.muli %add3A_138, %mul3A_144 : i32
      %dma_start3A_146 = tpu.memref_slice %arg7[%mul3A_145] : memref<10000xi32, #tpu.memory_space<vmem>> -> memref<80xi32, #tpu.memory_space<vmem>>
      %dma_start3A_147 = arith.constant 0 : i32
      %dma_start3A_148 = arith.constant 0 : i32
      %dma_start3A_149 = tpu.memref_slice %arg2[%dma_start3A_147, %dma_start3A_148] : memref<10000x128xf32, #tpu.memory_space<hbm>> -> memref<10000x128xf32, #tpu.memory_space<hbm>>
      tpu.enqueue_indirect_dma source(%dma_start3A_149 : memref<10000x128xf32, #tpu.memory_space<hbm>>) target(%arg11 : memref<80x128xf32, #tpu.memory_space<vmem>>) offsets(%dma_start3A_146 : memref<80xi32, #tpu.memory_space<vmem>>) semaphore(%arg14 : memref<!tpu.dma_semaphore, #tpu.memory_space<semaphore_mem>>)
      %dma_start3A_150 = arith.constant 0 : i32
      %dma_start3A_151 = arith.constant 0 : i32
      %dma_start3A_152 = tpu.memref_slice %arg6[%dma_start3A_150, %dma_start3A_151] : memref<10000x128xf32, #tpu.memory_space<vmem_shared>> -> memref<10000x128xf32, #tpu.memory_space<vmem_shared>>
      tpu.enqueue_indirect_dma source(%arg12 : memref<80x128xf32, #tpu.memory_space<vmem>>) target(%dma_start3A_152 : memref<10000x128xf32, #tpu.memory_space<vmem_shared>>) offsets(%arg9 : memref<80xi32, #tpu.memory_space<vmem>>) semaphore(%arg18 : memref<!tpu.dma_semaphore, #tpu.memory_space<semaphore_mem>>) {add = true}
      %mul3A_153 = arith.constant 3 : i32
      %mul3A_154 = arith.muli %scan3A_103, %mul3A_153 : i32
      %add3A_155 = arith.constant 2 : i32
      %add3A_156 = arith.addi %mul3A_154, %add3A_155 : i32
      %dma_wait3A_157 = tpu.memref_slice %arg3[%add3A_6] : memref<640000xi32, #tpu.memory_space<hbm>> -> memref<80xi32, #tpu.memory_space<hbm>>
      %dma_wait3A_158 = tpu.memref_slice %arg3[%add3A_6] : memref<640000xi32, #tpu.memory_space<hbm>> -> memref<80xi32, #tpu.memory_space<hbm>>
      tpu.wait_dma2 semaphore(%arg16 : memref<!tpu.dma_semaphore, #tpu.memory_space<semaphore_mem>>) src(%dma_wait3A_158 : memref<80xi32, #tpu.memory_space<hbm>>) dst(%arg10 : memref<80xi32, #tpu.memory_space<vmem>>)
      %dma_wait3A_159 = arith.constant 0 : i32
      %dma_wait3A_160 = tpu.memref_slice %arg7[%dma_wait3A_159] : memref<10000xi32, #tpu.memory_space<vmem>> -> memref<80xi32, #tpu.memory_space<vmem>>
      %dma_wait3A_161 = arith.constant 0 : i32
      %dma_wait3A_162 = arith.constant 0 : i32
      %dma_wait3A_163 = tpu.memref_slice %arg2[%dma_wait3A_161, %dma_wait3A_162] : memref<10000x128xf32, #tpu.memory_space<hbm>> -> memref<10000x128xf32, #tpu.memory_space<hbm>>
      tpu.wait_indirect_dma semaphore(%arg16 : memref<!tpu.dma_semaphore, #tpu.memory_space<semaphore_mem>>) src(%dma_wait3A_163 : memref<10000x128xf32, #tpu.memory_space<hbm>>) dst(%arg13 : memref<80x128xf32, #tpu.memory_space<vmem>>)
      %dma_wait3A_164 = arith.constant 0 : i32
      %dma_wait3A_165 = arith.constant 0 : i32
      %dma_wait3A_166 = tpu.memref_slice %arg6[%dma_wait3A_164, %dma_wait3A_165] : memref<10000x128xf32, #tpu.memory_space<vmem_shared>> -> memref<10000x128xf32, #tpu.memory_space<vmem_shared>>
      tpu.wait_indirect_dma semaphore(%arg18 : memref<!tpu.dma_semaphore, #tpu.memory_space<semaphore_mem>>) src(%arg12 : memref<80x128xf32, #tpu.memory_space<vmem>>) dst(%dma_wait3A_166 : memref<10000x128xf32, #tpu.memory_space<vmem_shared>>)
      %sub3A_167 = arith.constant 1 : i32
      %sub3A_168 = arith.subi %add3A_156, %sub3A_167 : i32
      %add3A_169 = arith.constant 3 : i32
      %add3A_170 = arith.addi %sub3A_168, %add3A_169 : i32
      %mul3A_171 = arith.constant 80 : i32
      %mul3A_172 = arith.muli %add3A_170, %mul3A_171 : i32
      %add3A_173 = arith.addi %add3A_6, %mul3A_172 : i32
      %dma_start3A_174 = tpu.memref_slice %arg3[%add3A_173] : memref<640000xi32, #tpu.memory_space<hbm>> -> memref<80xi32, #tpu.memory_space<hbm>>
      %dma_start3A_175 = tpu.memref_slice %arg3[%add3A_173] : memref<640000xi32, #tpu.memory_space<hbm>> -> memref<80xi32, #tpu.memory_space<hbm>>
      tpu.enqueue_dma source(%dma_start3A_175 : memref<80xi32, #tpu.memory_space<hbm>>) target(%arg9 : memref<80xi32, #tpu.memory_space<vmem>>) target_semaphore(%arg15 : memref<!tpu.dma_semaphore, #tpu.memory_space<semaphore_mem>>)
      %mul3A_176 = arith.constant 80 : i32
      %mul3A_177 = arith.muli %add3A_170, %mul3A_176 : i32
      %dma_start3A_178 = tpu.memref_slice %arg7[%mul3A_177] : memref<10000xi32, #tpu.memory_space<vmem>> -> memref<80xi32, #tpu.memory_space<vmem>>
      %dma_start3A_179 = arith.constant 0 : i32
      %dma_start3A_180 = arith.constant 0 : i32
      %dma_start3A_181 = tpu.memref_slice %arg2[%dma_start3A_179, %dma_start3A_180] : memref<10000x128xf32, #tpu.memory_space<hbm>> -> memref<10000x128xf32, #tpu.memory_space<hbm>>
      tpu.enqueue_indirect_dma source(%dma_start3A_181 : memref<10000x128xf32, #tpu.memory_space<hbm>>) target(%arg12 : memref<80x128xf32, #tpu.memory_space<vmem>>) offsets(%dma_start3A_178 : memref<80xi32, #tpu.memory_space<vmem>>) semaphore(%arg15 : memref<!tpu.dma_semaphore, #tpu.memory_space<semaphore_mem>>)
      %dma_start3A_182 = arith.constant 0 : i32
      %dma_start3A_183 = arith.constant 0 : i32
      %dma_start3A_184 = tpu.memref_slice %arg6[%dma_start3A_182, %dma_start3A_183] : memref<10000x128xf32, #tpu.memory_space<vmem_shared>> -> memref<10000x128xf32, #tpu.memory_space<vmem_shared>>
      tpu.enqueue_indirect_dma source(%arg13 : memref<80x128xf32, #tpu.memory_space<vmem>>) target(%dma_start3A_184 : memref<10000x128xf32, #tpu.memory_space<vmem_shared>>) offsets(%arg10 : memref<80xi32, #tpu.memory_space<vmem>>) semaphore(%arg19 : memref<!tpu.dma_semaphore, #tpu.memory_space<semaphore_mem>>) {add = true}
    }
    %scan3A_67 = arith.constant 41 : i32
    %dma_wait3A_68 = tpu.memref_slice %arg3[%add3A_6] : memref<640000xi32, #tpu.memory_space<hbm>> -> memref<80xi32, #tpu.memory_space<hbm>>
    %dma_wait3A_69 = tpu.memref_slice %arg3[%add3A_6] : memref<640000xi32, #tpu.memory_space<hbm>> -> memref<80xi32, #tpu.memory_space<hbm>>
    tpu.wait_dma2 semaphore(%arg14 : memref<!tpu.dma_semaphore, #tpu.memory_space<semaphore_mem>>) src(%dma_wait3A_69 : memref<80xi32, #tpu.memory_space<hbm>>) dst(%arg8 : memref<80xi32, #tpu.memory_space<vmem>>)
    %dma_wait3A_70 = arith.constant 0 : i32
    %dma_wait3A_71 = tpu.memref_slice %arg7[%dma_wait3A_70] : memref<10000xi32, #tpu.memory_space<vmem>> -> memref<80xi32, #tpu.memory_space<vmem>>
    %dma_wait3A_72 = arith.constant 0 : i32
    %dma_wait3A_73 = arith.constant 0 : i32
    %dma_wait3A_74 = tpu.memref_slice %arg2[%dma_wait3A_72, %dma_wait3A_73] : memref<10000x128xf32, #tpu.memory_space<hbm>> -> memref<10000x128xf32, #tpu.memory_space<hbm>>
    tpu.wait_indirect_dma semaphore(%arg14 : memref<!tpu.dma_semaphore, #tpu.memory_space<semaphore_mem>>) src(%dma_wait3A_74 : memref<10000x128xf32, #tpu.memory_space<hbm>>) dst(%arg11 : memref<80x128xf32, #tpu.memory_space<vmem>>)
    %dma_wait3A_75 = arith.constant 0 : i32
    %dma_wait3A_76 = arith.constant 0 : i32
    %dma_wait3A_77 = tpu.memref_slice %arg6[%dma_wait3A_75, %dma_wait3A_76] : memref<10000x128xf32, #tpu.memory_space<vmem_shared>> -> memref<10000x128xf32, #tpu.memory_space<vmem_shared>>
    tpu.wait_indirect_dma semaphore(%arg19 : memref<!tpu.dma_semaphore, #tpu.memory_space<semaphore_mem>>) src(%arg13 : memref<80x128xf32, #tpu.memory_space<vmem>>) dst(%dma_wait3A_77 : memref<10000x128xf32, #tpu.memory_space<vmem_shared>>)
    %dma_start3A_78 = arith.constant 0 : i32
    %dma_start3A_79 = arith.constant 0 : i32
    %dma_start3A_80 = tpu.memref_slice %arg6[%dma_start3A_78, %dma_start3A_79] : memref<10000x128xf32, #tpu.memory_space<vmem_shared>> -> memref<10000x128xf32, #tpu.memory_space<vmem_shared>>
    tpu.enqueue_indirect_dma source(%arg11 : memref<80x128xf32, #tpu.memory_space<vmem>>) target(%dma_start3A_80 : memref<10000x128xf32, #tpu.memory_space<vmem_shared>>) offsets(%arg8 : memref<80xi32, #tpu.memory_space<vmem>>) semaphore(%arg17 : memref<!tpu.dma_semaphore, #tpu.memory_space<semaphore_mem>>) {add = true}
    %dma_wait3A_81 = tpu.memref_slice %arg3[%add3A_6] : memref<640000xi32, #tpu.memory_space<hbm>> -> memref<80xi32, #tpu.memory_space<hbm>>
    %dma_wait3A_82 = tpu.memref_slice %arg3[%add3A_6] : memref<640000xi32, #tpu.memory_space<hbm>> -> memref<80xi32, #tpu.memory_space<hbm>>
    tpu.wait_dma2 semaphore(%arg15 : memref<!tpu.dma_semaphore, #tpu.memory_space<semaphore_mem>>) src(%dma_wait3A_82 : memref<80xi32, #tpu.memory_space<hbm>>) dst(%arg9 : memref<80xi32, #tpu.memory_space<vmem>>)
    %dma_wait3A_83 = arith.constant 0 : i32
    %dma_wait3A_84 = tpu.memref_slice %arg7[%dma_wait3A_83] : memref<10000xi32, #tpu.memory_space<vmem>> -> memref<80xi32, #tpu.memory_space<vmem>>
    %dma_wait3A_85 = arith.constant 0 : i32
    %dma_wait3A_86 = arith.constant 0 : i32
    %dma_wait3A_87 = tpu.memref_slice %arg2[%dma_wait3A_85, %dma_wait3A_86] : memref<10000x128xf32, #tpu.memory_space<hbm>> -> memref<10000x128xf32, #tpu.memory_space<hbm>>
    tpu.wait_indirect_dma semaphore(%arg15 : memref<!tpu.dma_semaphore, #tpu.memory_space<semaphore_mem>>) src(%dma_wait3A_87 : memref<10000x128xf32, #tpu.memory_space<hbm>>) dst(%arg12 : memref<80x128xf32, #tpu.memory_space<vmem>>)
    %dma_wait3A_88 = arith.constant 0 : i32
    %dma_wait3A_89 = arith.constant 0 : i32
    %dma_wait3A_90 = tpu.memref_slice %arg6[%dma_wait3A_88, %dma_wait3A_89] : memref<10000x128xf32, #tpu.memory_space<vmem_shared>> -> memref<10000x128xf32, #tpu.memory_space<vmem_shared>>
    tpu.wait_indirect_dma semaphore(%arg17 : memref<!tpu.dma_semaphore, #tpu.memory_space<semaphore_mem>>) src(%arg11 : memref<80x128xf32, #tpu.memory_space<vmem>>) dst(%dma_wait3A_90 : memref<10000x128xf32, #tpu.memory_space<vmem_shared>>)
    %dma_start3A_91 = arith.constant 0 : i32
    %dma_start3A_92 = arith.constant 0 : i32
    %dma_start3A_93 = tpu.memref_slice %arg6[%dma_start3A_91, %dma_start3A_92] : memref<10000x128xf32, #tpu.memory_space<vmem_shared>> -> memref<10000x128xf32, #tpu.memory_space<vmem_shared>>
    tpu.enqueue_indirect_dma source(%arg12 : memref<80x128xf32, #tpu.memory_space<vmem>>) target(%dma_start3A_93 : memref<10000x128xf32, #tpu.memory_space<vmem_shared>>) offsets(%arg9 : memref<80xi32, #tpu.memory_space<vmem>>) semaphore(%arg18 : memref<!tpu.dma_semaphore, #tpu.memory_space<semaphore_mem>>) {add = true}
    %dma_wait3A_94 = arith.constant 0 : i32
    %dma_wait3A_95 = arith.constant 0 : i32
    %dma_wait3A_96 = tpu.memref_slice %arg6[%dma_wait3A_94, %dma_wait3A_95] : memref<10000x128xf32, #tpu.memory_space<vmem_shared>> -> memref<10000x128xf32, #tpu.memory_space<vmem_shared>>
    tpu.wait_indirect_dma semaphore(%arg18 : memref<!tpu.dma_semaphore, #tpu.memory_space<semaphore_mem>>) src(%arg12 : memref<80x128xf32, #tpu.memory_space<vmem>>) dst(%dma_wait3A_96 : memref<10000x128xf32, #tpu.memory_space<vmem_shared>>)
    %barrier3A_97 = arith.constant 0 : index
    tpu.barrier barrier_id(%barrier3A_97)
    "tpu.region"() ({
      %run_scoped3A = tpu.sem_alloc : memref<!tpu.dma_semaphore, #tpu.memory_space<semaphore_mem>>
      %dma_start3A_103 = arith.constant 0 : i32
      %dma_start3A_104 = tpu.memref_slice %arg5[%arg0, %mul3A_2, %dma_start3A_103] : memref<2x10000x128xf32, #tpu.memory_space<hbm>> -> memref<1x624x128xf32, #tpu.memory_space<hbm>>
      %dma_start3A_105 = tpu.memref_squeeze %dma_start3A_104 : memref<1x624x128xf32, #tpu.memory_space<hbm>> -> memref<624x128xf32, #tpu.memory_space<hbm>>
      %dma_start3A_106 = arith.constant 0 : i32
      %dma_start3A_107 = tpu.memref_slice %arg6[%mul3A_2, %dma_start3A_106] : memref<10000x128xf32, #tpu.memory_space<vmem_shared>> -> memref<624x128xf32, #tpu.memory_space<vmem_shared>>
      tpu.enqueue_dma source(%dma_start3A_107 : memref<624x128xf32, #tpu.memory_space<vmem_shared>>) target(%dma_start3A_105 : memref<624x128xf32, #tpu.memory_space<hbm>>) target_semaphore(%run_scoped3A : memref<!tpu.dma_semaphore, #tpu.memory_space<semaphore_mem>>)
      %dma_wait3A_108 = arith.constant 0 : i32
      %dma_wait3A_109 = tpu.memref_slice %arg5[%arg0, %mul3A_2, %dma_wait3A_108] : memref<2x10000x128xf32, #tpu.memory_space<hbm>> -> memref<1x624x128xf32, #tpu.memory_space<hbm>>
      %dma_wait3A_110 = tpu.memref_squeeze %dma_wait3A_109 : memref<1x624x128xf32, #tpu.memory_space<hbm>> -> memref<624x128xf32, #tpu.memory_space<hbm>>
      %dma_wait3A_111 = arith.constant 0 : i32
      %dma_wait3A_112 = tpu.memref_slice %arg6[%mul3A_2, %dma_wait3A_111] : memref<10000x128xf32, #tpu.memory_space<vmem_shared>> -> memref<624x128xf32, #tpu.memory_space<vmem_shared>>
      tpu.wait_dma2 semaphore(%run_scoped3A : memref<!tpu.dma_semaphore, #tpu.memory_space<semaphore_mem>>) src(%dma_wait3A_112 : memref<624x128xf32, #tpu.memory_space<vmem_shared>>) dst(%dma_wait3A_110 : memref<624x128xf32, #tpu.memory_space<hbm>>)
      tpu.yield
    }) : () -> ()
    %eq3A_98 = arith.constant 15 : i32
    %eq3A_99 = arith.cmpi eq, %arg1, %eq3A_98 : i32
    %convert_element_type3A_100 = arith.extui %eq3A_99 : i1 to i32
    %cond3A_101 = arith.constant 0 : i32
    %cond3A_102 = arith.cmpi ne, %convert_element_type3A_100, %cond3A_101 : i32
    scf.if %cond3A_102 {
      "tpu.region"() ({
        %run_scoped3A = tpu.sem_alloc : memref<!tpu.dma_semaphore, #tpu.memory_space<semaphore_mem>>
        %dma_start3A_103 = arith.constant 9984 : i32
        %dma_start3A_104 = arith.constant 0 : i32
        %dma_start3A_105 = tpu.memref_slice %arg5[%arg0, %dma_start3A_103, %dma_start3A_104] : memref<2x10000x128xf32, #tpu.memory_space<hbm>> -> memref<1x16x128xf32, #tpu.memory_space<hbm>>
        %dma_start3A_106 = tpu.memref_squeeze %dma_start3A_105 : memref<1x16x128xf32, #tpu.memory_space<hbm>> -> memref<16x128xf32, #tpu.memory_space<hbm>>
        %dma_start3A_107 = arith.constant 9984 : i32
        %dma_start3A_108 = arith.constant 0 : i32
        %dma_start3A_109 = tpu.memref_slice %arg6[%dma_start3A_107, %dma_start3A_108] : memref<10000x128xf32, #tpu.memory_space<vmem_shared>> -> memref<16x128xf32, #tpu.memory_space<vmem_shared>>
        tpu.enqueue_dma source(%dma_start3A_109 : memref<16x128xf32, #tpu.memory_space<vmem_shared>>) target(%dma_start3A_106 : memref<16x128xf32, #tpu.memory_space<hbm>>) target_semaphore(%run_scoped3A : memref<!tpu.dma_semaphore, #tpu.memory_space<semaphore_mem>>)
        %dma_wait3A_110 = arith.constant 9984 : i32
        %dma_wait3A_111 = arith.constant 0 : i32
        %dma_wait3A_112 = tpu.memref_slice %arg5[%arg0, %dma_wait3A_110, %dma_wait3A_111] : memref<2x10000x128xf32, #tpu.memory_space<hbm>> -> memref<1x16x128xf32, #tpu.memory_space<hbm>>
        %dma_wait3A_113 = tpu.memref_squeeze %dma_wait3A_112 : memref<1x16x128xf32, #tpu.memory_space<hbm>> -> memref<16x128xf32, #tpu.memory_space<hbm>>
        %dma_wait3A_114 = arith.constant 9984 : i32
        %dma_wait3A_115 = arith.constant 0 : i32
        %dma_wait3A_116 = tpu.memref_slice %arg6[%dma_wait3A_114, %dma_wait3A_115] : memref<10000x128xf32, #tpu.memory_space<vmem_shared>> -> memref<16x128xf32, #tpu.memory_space<vmem_shared>>
        tpu.wait_dma2 semaphore(%run_scoped3A : memref<!tpu.dma_semaphore, #tpu.memory_space<semaphore_mem>>) src(%dma_wait3A_116 : memref<16x128xf32, #tpu.memory_space<vmem_shared>>) dst(%dma_wait3A_113 : memref<16x128xf32, #tpu.memory_space<hbm>>)
        tpu.yield
      }) : () -> ()
    } else {
    }
    return
  }
}

module attributes {stable_mosaic.version = 14 : i64} {
  func.func @_dense1_body(%arg0: memref<10000x128xf32, #tpu.memory_space<vmem>>, %arg1: memref<10000x128xf32, #tpu.memory_space<vmem>>, %arg2: memref<10000x128xf32, #tpu.memory_space<vmem>>, %arg3: memref<1x10000xi32, #tpu.memory_space<vmem>>, %arg4: memref<64x16xf32, #tpu.memory_space<vmem>>, %arg5: memref<128x128xf32, #tpu.memory_space<vmem>>, %arg6: memref<1x128xf32, #tpu.memory_space<vmem>>, %arg7: memref<128x128xf32, #tpu.memory_space<vmem>>, %arg8: memref<1x128xf32, #tpu.memory_space<vmem>>, %arg9: memref<1x128xf32, #tpu.memory_space<vmem>>, %arg10: memref<144x256xf32, #tpu.memory_space<vmem>>, %arg11: memref<1x256xf32, #tpu.memory_space<vmem>>, %arg12: memref<1x256xf32, #tpu.memory_space<vmem>>, %arg13: memref<1x256xf32, #tpu.memory_space<vmem>>, %arg14: memref<256x256xf32, #tpu.memory_space<vmem>>, %arg15: memref<1x256xf32, #tpu.memory_space<vmem>>, %arg16: memref<10000x128xf32, #tpu.memory_space<vmem>>, %arg17: memref<64x256xf32, #tpu.memory_space<vmem>>) attributes {dimension_semantics = [], scalar_prefetch = 0 : i64, scratch_operands = 0 : i64, tpu.core_type = #tpu.core_type<tc>} {
    %get3A = arith.constant 0 : index
    %get3A_0 = arith.constant 0 : index
    %get3A_1 = vector.load %arg0[%get3A, %get3A_0] : memref<10000x128xf32, #tpu.memory_space<vmem>>, vector<10000x128xf32>
    %get3A_2 = arith.constant 0 : index
    %get3A_3 = arith.constant 0 : index
    %get3A_4 = vector.load %arg1[%get3A_2, %get3A_3] : memref<10000x128xf32, #tpu.memory_space<vmem>>, vector<10000x128xf32>
    %add3A = arith.addf %get3A_1, %get3A_4 : vector<10000x128xf32>
    %get3A_5 = arith.constant 0 : index
    %get3A_6 = arith.constant 0 : index
    %get3A_7 = vector.load %arg5[%get3A_5, %get3A_6] : memref<128x128xf32, #tpu.memory_space<vmem>>, vector<128x128xf32>
    %dot_general3A = arith.constant dense<0.000000e+00> : vector<10000x128xf32>
    %dot_general3A_8 = tpu.matmul %add3A, %get3A_7, %dot_general3A {dimension_numbers = #tpu.dot_dimension_numbers<[1], [0], [0], [1], [0, 0, 1, 1], [], []>, transpose_lhs_hint = false} : vector<10000x128xf32>, vector<128x128xf32>, vector<10000x128xf32> -> vector<10000x128xf32>
    %get3A_9 = arith.constant 0 : index
    %get3A_10 = arith.constant 0 : index
    %get3A_11 = vector.load %arg6[%get3A_9, %get3A_10] : memref<1x128xf32, #tpu.memory_space<vmem>>, vector<1x128xf32>
    %add3A_12 = vector.broadcast %get3A_11 : vector<1x128xf32> to vector<10000x128xf32>
    %add3A_13 = arith.addf %dot_general3A_8, %add3A_12 : vector<10000x128xf32>
    %get3A_14 = arith.constant 0 : index
    %get3A_15 = arith.constant 0 : index
    %get3A_16 = vector.load %arg2[%get3A_14, %get3A_15] : memref<10000x128xf32, #tpu.memory_space<vmem>>, vector<10000x128xf32>
    %get3A_17 = arith.constant 0 : index
    %get3A_18 = arith.constant 0 : index
    %get3A_19 = vector.load %arg7[%get3A_17, %get3A_18] : memref<128x128xf32, #tpu.memory_space<vmem>>, vector<128x128xf32>
    %dot_general3A_20 = arith.constant dense<0.000000e+00> : vector<10000x128xf32>
    %dot_general3A_21 = tpu.matmul %get3A_16, %get3A_19, %dot_general3A_20 {dimension_numbers = #tpu.dot_dimension_numbers<[1], [0], [0], [1], [0, 0, 1, 1], [], []>, transpose_lhs_hint = false} : vector<10000x128xf32>, vector<128x128xf32>, vector<10000x128xf32> -> vector<10000x128xf32>
    %add3A_22 = arith.addf %add3A_13, %dot_general3A_21 : vector<10000x128xf32>
    %reduce_sum3A = vector.shape_cast %add3A_22 : vector<10000x128xf32> to vector<1x10000x128xf32>
    %reduce_sum3A_23 = arith.constant dense<0.000000e+00> : vector<1xf32>
    %reduce_sum3A_24 = vector.multi_reduction <add>, %reduce_sum3A, %reduce_sum3A_23 [1, 2] : vector<1x10000x128xf32> to vector<1xf32>
    %reduce_sum3A_25 = vector.shape_cast %reduce_sum3A_24 : vector<1xf32> to vector<1x1x1xf32>
    %reduce_sum3A_26 = vector.extract %reduce_sum3A_25[0, 0, 0] : f32 from vector<1x1x1xf32>
    %div3A = arith.constant 1.280000e+06 : f32
    %div3A_27 = arith.divf %reduce_sum3A_26, %div3A : f32
    %sub3A = vector.broadcast %div3A_27 : f32 to vector<10000x128xf32>
    %sub3A_28 = arith.subf %add3A_22, %sub3A : vector<10000x128xf32>
    %mul3A = arith.mulf %sub3A_28, %sub3A_28 : vector<10000x128xf32>
    %reduce_sum3A_29 = vector.shape_cast %mul3A : vector<10000x128xf32> to vector<1x10000x128xf32>
    %reduce_sum3A_30 = arith.constant dense<0.000000e+00> : vector<1xf32>
    %reduce_sum3A_31 = vector.multi_reduction <add>, %reduce_sum3A_29, %reduce_sum3A_30 [1, 2] : vector<1x10000x128xf32> to vector<1xf32>
    %reduce_sum3A_32 = vector.shape_cast %reduce_sum3A_31 : vector<1xf32> to vector<1x1x1xf32>
    %reduce_sum3A_33 = vector.extract %reduce_sum3A_32[0, 0, 0] : f32 from vector<1x1x1xf32>
    %div3A_34 = arith.constant 1.280000e+06 : f32
    %div3A_35 = arith.divf %reduce_sum3A_33, %div3A_34 : f32
    %add3A_36 = arith.constant 9.99999974E-6 : f32
    %add3A_37 = arith.addf %div3A_35, %add3A_36 : f32
    %sqrt3A = math.sqrt %add3A_37 : f32
    %div3A_38 = vector.broadcast %sqrt3A : f32 to vector<10000x128xf32>
    %div3A_39 = arith.divf %sub3A_28, %div3A_38 : vector<10000x128xf32>
    %get3A_40 = arith.constant 0 : index
    %get3A_41 = arith.constant 0 : index
    %get3A_42 = vector.load %arg8[%get3A_40, %get3A_41] : memref<1x128xf32, #tpu.memory_space<vmem>>, vector<1x128xf32>
    %mul3A_43 = vector.broadcast %get3A_42 : vector<1x128xf32> to vector<10000x128xf32>
    %mul3A_44 = arith.mulf %div3A_39, %mul3A_43 : vector<10000x128xf32>
    %get3A_45 = arith.constant 0 : index
    %get3A_46 = arith.constant 0 : index
    %get3A_47 = vector.load %arg9[%get3A_45, %get3A_46] : memref<1x128xf32, #tpu.memory_space<vmem>>, vector<1x128xf32>
    %add3A_48 = vector.broadcast %get3A_47 : vector<1x128xf32> to vector<10000x128xf32>
    %add3A_49 = arith.addf %mul3A_44, %add3A_48 : vector<10000x128xf32>
    %max3A = arith.constant 0.000000e+00 : f32
    %max3A_50 = vector.broadcast %max3A : f32 to vector<10000x128xf32>
    %max3A_51 = arith.maximumf %add3A_49, %max3A_50 : vector<10000x128xf32>
    %swap3A = arith.constant 0 : index
    %swap3A_52 = arith.constant 0 : index
    %swap3A_53 = vector.load %arg16[%swap3A, %swap3A_52] : memref<10000x128xf32, #tpu.memory_space<vmem>>, vector<10000x128xf32>
    tpu.vector_store %arg16[%swap3A, %swap3A_52], %max3A_51 {strides = array<i32>} : memref<10000x128xf32, #tpu.memory_space<vmem>>, vector<10000x128xf32>,
    %get3A_54 = arith.constant 0 : index
    %get3A_55 = arith.constant 0 : index
    %get3A_56 = vector.load %arg3[%get3A_54, %get3A_55] : memref<1x10000xi32, #tpu.memory_space<vmem>>, vector<1x10000xi32>
    %iota3A = tpu.iota {dimensions = array<i32: 0>} : vector<64x10000xi32>
    %eq3A = vector.broadcast %get3A_56 : vector<1x10000xi32> to vector<64x10000xi32>
    %eq3A_57 = arith.cmpi eq, %iota3A, %eq3A : vector<64x10000xi32>
    %convert_element_type3A = arith.extui %eq3A_57 : vector<64x10000xi1> to vector<64x10000xi32>
    %convert_element_type3A_58 = arith.sitofp %convert_element_type3A : vector<64x10000xi32> to vector<64x10000xf32>
    %dot_general3A_59 = arith.constant dense<0.000000e+00> : vector<64x128xf32>
    %dot_general3A_60 = tpu.matmul %convert_element_type3A_58, %max3A_51, %dot_general3A_59 {dimension_numbers = #tpu.dot_dimension_numbers<[1], [0], [0], [1], [0, 0, 1, 1], [], []>, transpose_lhs_hint = false} : vector<64x10000xf32>, vector<10000x128xf32>, vector<64x128xf32> -> vector<64x128xf32>
    %reduce_sum3A_61 = arith.constant dense<0.000000e+00> : vector<64xf32>
    %reduce_sum3A_62 = vector.multi_reduction <add>, %convert_element_type3A_58, %reduce_sum3A_61 [1] : vector<64x10000xf32> to vector<64xf32>
    %broadcast_in_dim3A = vector.shape_cast %reduce_sum3A_62 : vector<64xf32> to vector<64x1xf32>
    %max3A_63 = arith.constant 1.000000e+00 : f32
    %max3A_64 = vector.broadcast %max3A_63 : f32 to vector<64x1xf32>
    %max3A_65 = arith.maximumf %broadcast_in_dim3A, %max3A_64 : vector<64x1xf32>
    %div3A_66 = vector.broadcast %max3A_65 : vector<64x1xf32> to vector<64x128xf32>
    %div3A_67 = arith.divf %dot_general3A_60, %div3A_66 : vector<64x128xf32>
    %get3A_68 = arith.constant 0 : index
    %get3A_69 = arith.constant 0 : index
    %get3A_70 = vector.load %arg4[%get3A_68, %get3A_69] : memref<64x16xf32, #tpu.memory_space<vmem>>, vector<64x16xf32>
    %concatenate3A = tpu.concatenate %div3A_67, %get3A_70 in 1 : vector<64x128xf32>, vector<64x16xf32> -> vector<64x144xf32>
    %get3A_71 = arith.constant 0 : index
    %get3A_72 = arith.constant 0 : index
    %get3A_73 = vector.load %arg10[%get3A_71, %get3A_72] : memref<144x256xf32, #tpu.memory_space<vmem>>, vector<144x256xf32>
    %dot_general3A_74 = arith.constant dense<0.000000e+00> : vector<64x256xf32>
    %dot_general3A_75 = tpu.matmul %concatenate3A, %get3A_73, %dot_general3A_74 {dimension_numbers = #tpu.dot_dimension_numbers<[1], [0], [0], [1], [0, 0, 1, 1], [], []>, transpose_lhs_hint = false} : vector<64x144xf32>, vector<144x256xf32>, vector<64x256xf32> -> vector<64x256xf32>
    %get3A_76 = arith.constant 0 : index
    %get3A_77 = arith.constant 0 : index
    %get3A_78 = vector.load %arg11[%get3A_76, %get3A_77] : memref<1x256xf32, #tpu.memory_space<vmem>>, vector<1x256xf32>
    %add3A_79 = vector.broadcast %get3A_78 : vector<1x256xf32> to vector<64x256xf32>
    %add3A_80 = arith.addf %dot_general3A_75, %add3A_79 : vector<64x256xf32>
    %reduce_sum3A_81 = arith.constant dense<0.000000e+00> : vector<64xf32>
    %reduce_sum3A_82 = vector.multi_reduction <add>, %add3A_80, %reduce_sum3A_81 [1] : vector<64x256xf32> to vector<64xf32>
    %broadcast_in_dim3A_83 = vector.shape_cast %reduce_sum3A_82 : vector<64xf32> to vector<64x1xf32>
    %div3A_84 = arith.constant 2.560000e+02 : f32
    %div3A_85 = vector.broadcast %div3A_84 : f32 to vector<64x1xf32>
    %div3A_86 = arith.divf %broadcast_in_dim3A_83, %div3A_85 : vector<64x1xf32>
    %sub3A_87 = vector.broadcast %div3A_86 : vector<64x1xf32> to vector<64x256xf32>
    %sub3A_88 = arith.subf %add3A_80, %sub3A_87 : vector<64x256xf32>
    %mul3A_89 = arith.mulf %sub3A_88, %sub3A_88 : vector<64x256xf32>
    %reduce_sum3A_90 = arith.constant dense<0.000000e+00> : vector<64xf32>
    %reduce_sum3A_91 = vector.multi_reduction <add>, %mul3A_89, %reduce_sum3A_90 [1] : vector<64x256xf32> to vector<64xf32>
    %broadcast_in_dim3A_92 = vector.shape_cast %reduce_sum3A_91 : vector<64xf32> to vector<64x1xf32>
    %div3A_93 = arith.constant 2.560000e+02 : f32
    %div3A_94 = vector.broadcast %div3A_93 : f32 to vector<64x1xf32>
    %div3A_95 = arith.divf %broadcast_in_dim3A_92, %div3A_94 : vector<64x1xf32>
    %add3A_96 = arith.constant 9.99999974E-6 : f32
    %add3A_97 = vector.broadcast %add3A_96 : f32 to vector<64x1xf32>
    %add3A_98 = arith.addf %div3A_95, %add3A_97 : vector<64x1xf32>
    %sqrt3A_99 = math.sqrt %add3A_98 : vector<64x1xf32>
    %div3A_100 = vector.broadcast %sqrt3A_99 : vector<64x1xf32> to vector<64x256xf32>
    %div3A_101 = arith.divf %sub3A_88, %div3A_100 : vector<64x256xf32>
    %get3A_102 = arith.constant 0 : index
    %get3A_103 = arith.constant 0 : index
    %get3A_104 = vector.load %arg12[%get3A_102, %get3A_103] : memref<1x256xf32, #tpu.memory_space<vmem>>, vector<1x256xf32>
    %mul3A_105 = vector.broadcast %get3A_104 : vector<1x256xf32> to vector<64x256xf32>
    %mul3A_106 = arith.mulf %div3A_101, %mul3A_105 : vector<64x256xf32>
    %get3A_107 = arith.constant 0 : index
    %get3A_108 = arith.constant 0 : index
    %get3A_109 = vector.load %arg13[%get3A_107, %get3A_108] : memref<1x256xf32, #tpu.memory_space<vmem>>, vector<1x256xf32>
    %add3A_110 = vector.broadcast %get3A_109 : vector<1x256xf32> to vector<64x256xf32>
    %add3A_111 = arith.addf %mul3A_106, %add3A_110 : vector<64x256xf32>
    %max3A_112 = arith.constant 0.000000e+00 : f32
    %max3A_113 = vector.broadcast %max3A_112 : f32 to vector<64x256xf32>
    %max3A_114 = arith.maximumf %add3A_111, %max3A_113 : vector<64x256xf32>
    %get3A_115 = arith.constant 0 : index
    %get3A_116 = arith.constant 0 : index
    %get3A_117 = vector.load %arg14[%get3A_115, %get3A_116] : memref<256x256xf32, #tpu.memory_space<vmem>>, vector<256x256xf32>
    %dot_general3A_118 = arith.constant dense<0.000000e+00> : vector<64x256xf32>
    %dot_general3A_119 = tpu.matmul %max3A_114, %get3A_117, %dot_general3A_118 {dimension_numbers = #tpu.dot_dimension_numbers<[1], [0], [0], [1], [0, 0, 1, 1], [], []>, transpose_lhs_hint = false} : vector<64x256xf32>, vector<256x256xf32>, vector<64x256xf32> -> vector<64x256xf32>
    %get3A_120 = arith.constant 0 : index
    %get3A_121 = arith.constant 0 : index
    %get3A_122 = vector.load %arg15[%get3A_120, %get3A_121] : memref<1x256xf32, #tpu.memory_space<vmem>>, vector<1x256xf32>
    %add3A_123 = vector.broadcast %get3A_122 : vector<1x256xf32> to vector<64x256xf32>
    %add3A_124 = arith.addf %dot_general3A_119, %add3A_123 : vector<64x256xf32>
    %swap3A_125 = arith.constant 0 : index
    %swap3A_126 = arith.constant 0 : index
    %swap3A_127 = vector.load %arg17[%swap3A_125, %swap3A_126] : memref<64x256xf32, #tpu.memory_space<vmem>>, vector<64x256xf32>
    tpu.vector_store %arg17[%swap3A_125, %swap3A_126], %add3A_124 {strides = array<i32>} : memref<64x256xf32, #tpu.memory_space<vmem>>, vector<64x256xf32>,
    return
  }
}

module attributes {stable_mosaic.version = 14 : i64} {
  func.func @_dense2_body(%arg0: memref<10000x128xf32, #tpu.memory_space<vmem>>, %arg1: memref<10000x128xf32, #tpu.memory_space<vmem>>, %arg2: memref<10000x128xf32, #tpu.memory_space<vmem>>, %arg3: memref<64x256xf32, #tpu.memory_space<vmem>>, %arg4: memref<1x10000xi32, #tpu.memory_space<vmem>>, %arg5: memref<64x16xf32, #tpu.memory_space<vmem>>, %arg6: memref<128x128xf32, #tpu.memory_space<vmem>>, %arg7: memref<1x128xf32, #tpu.memory_space<vmem>>, %arg8: memref<128x128xf32, #tpu.memory_space<vmem>>, %arg9: memref<1x128xf32, #tpu.memory_space<vmem>>, %arg10: memref<1x128xf32, #tpu.memory_space<vmem>>, %arg11: memref<400x256xf32, #tpu.memory_space<vmem>>, %arg12: memref<1x256xf32, #tpu.memory_space<vmem>>, %arg13: memref<1x256xf32, #tpu.memory_space<vmem>>, %arg14: memref<1x256xf32, #tpu.memory_space<vmem>>, %arg15: memref<256x128xf32, #tpu.memory_space<vmem>>, %arg16: memref<1x128xf32, #tpu.memory_space<vmem>>, %arg17: memref<1x128xf32, #tpu.memory_space<vmem>>, %arg18: memref<1x128xf32, #tpu.memory_space<vmem>>, %arg19: memref<128x64xf32, #tpu.memory_space<vmem>>, %arg20: memref<1x64xf32, #tpu.memory_space<vmem>>, %arg21: memref<1x64xf32, #tpu.memory_space<vmem>>, %arg22: memref<1x64xf32, #tpu.memory_space<vmem>>, %arg23: memref<64x2xf32, #tpu.memory_space<vmem>>, %arg24: memref<1x2xf32, #tpu.memory_space<vmem>>, %arg25: memref<64x2xf32, #tpu.memory_space<vmem>>) attributes {dimension_semantics = [], scalar_prefetch = 0 : i64, scratch_operands = 0 : i64, tpu.core_type = #tpu.core_type<tc>} {
    %get3A = arith.constant 0 : index
    %get3A_0 = arith.constant 0 : index
    %get3A_1 = vector.load %arg0[%get3A, %get3A_0] : memref<10000x128xf32, #tpu.memory_space<vmem>>, vector<10000x128xf32>
    %get3A_2 = arith.constant 0 : index
    %get3A_3 = arith.constant 0 : index
    %get3A_4 = vector.load %arg1[%get3A_2, %get3A_3] : memref<10000x128xf32, #tpu.memory_space<vmem>>, vector<10000x128xf32>
    %add3A = arith.addf %get3A_1, %get3A_4 : vector<10000x128xf32>
    %get3A_5 = arith.constant 0 : index
    %get3A_6 = arith.constant 0 : index
    %get3A_7 = vector.load %arg6[%get3A_5, %get3A_6] : memref<128x128xf32, #tpu.memory_space<vmem>>, vector<128x128xf32>
    %dot_general3A = arith.constant dense<0.000000e+00> : vector<10000x128xf32>
    %dot_general3A_8 = tpu.matmul %add3A, %get3A_7, %dot_general3A {dimension_numbers = #tpu.dot_dimension_numbers<[1], [0], [0], [1], [0, 0, 1, 1], [], []>, transpose_lhs_hint = false} : vector<10000x128xf32>, vector<128x128xf32>, vector<10000x128xf32> -> vector<10000x128xf32>
    %get3A_9 = arith.constant 0 : index
    %get3A_10 = arith.constant 0 : index
    %get3A_11 = vector.load %arg7[%get3A_9, %get3A_10] : memref<1x128xf32, #tpu.memory_space<vmem>>, vector<1x128xf32>
    %add3A_12 = vector.broadcast %get3A_11 : vector<1x128xf32> to vector<10000x128xf32>
    %add3A_13 = arith.addf %dot_general3A_8, %add3A_12 : vector<10000x128xf32>
    %get3A_14 = arith.constant 0 : index
    %get3A_15 = arith.constant 0 : index
    %get3A_16 = vector.load %arg2[%get3A_14, %get3A_15] : memref<10000x128xf32, #tpu.memory_space<vmem>>, vector<10000x128xf32>
    %get3A_17 = arith.constant 0 : index
    %get3A_18 = arith.constant 0 : index
    %get3A_19 = vector.load %arg8[%get3A_17, %get3A_18] : memref<128x128xf32, #tpu.memory_space<vmem>>, vector<128x128xf32>
    %dot_general3A_20 = arith.constant dense<0.000000e+00> : vector<10000x128xf32>
    %dot_general3A_21 = tpu.matmul %get3A_16, %get3A_19, %dot_general3A_20 {dimension_numbers = #tpu.dot_dimension_numbers<[1], [0], [0], [1], [0, 0, 1, 1], [], []>, transpose_lhs_hint = false} : vector<10000x128xf32>, vector<128x128xf32>, vector<10000x128xf32> -> vector<10000x128xf32>
    %add3A_22 = arith.addf %add3A_13, %dot_general3A_21 : vector<10000x128xf32>
    %reduce_sum3A = vector.shape_cast %add3A_22 : vector<10000x128xf32> to vector<1x10000x128xf32>
    %reduce_sum3A_23 = arith.constant dense<0.000000e+00> : vector<1xf32>
    %reduce_sum3A_24 = vector.multi_reduction <add>, %reduce_sum3A, %reduce_sum3A_23 [1, 2] : vector<1x10000x128xf32> to vector<1xf32>
    %reduce_sum3A_25 = vector.shape_cast %reduce_sum3A_24 : vector<1xf32> to vector<1x1x1xf32>
    %reduce_sum3A_26 = vector.extract %reduce_sum3A_25[0, 0, 0] : f32 from vector<1x1x1xf32>
    %div3A = arith.constant 1.280000e+06 : f32
    %div3A_27 = arith.divf %reduce_sum3A_26, %div3A : f32
    %sub3A = vector.broadcast %div3A_27 : f32 to vector<10000x128xf32>
    %sub3A_28 = arith.subf %add3A_22, %sub3A : vector<10000x128xf32>
    %mul3A = arith.mulf %sub3A_28, %sub3A_28 : vector<10000x128xf32>
    %reduce_sum3A_29 = vector.shape_cast %mul3A : vector<10000x128xf32> to vector<1x10000x128xf32>
    %reduce_sum3A_30 = arith.constant dense<0.000000e+00> : vector<1xf32>
    %reduce_sum3A_31 = vector.multi_reduction <add>, %reduce_sum3A_29, %reduce_sum3A_30 [1, 2] : vector<1x10000x128xf32> to vector<1xf32>
    %reduce_sum3A_32 = vector.shape_cast %reduce_sum3A_31 : vector<1xf32> to vector<1x1x1xf32>
    %reduce_sum3A_33 = vector.extract %reduce_sum3A_32[0, 0, 0] : f32 from vector<1x1x1xf32>
    %div3A_34 = arith.constant 1.280000e+06 : f32
    %div3A_35 = arith.divf %reduce_sum3A_33, %div3A_34 : f32
    %add3A_36 = arith.constant 9.99999974E-6 : f32
    %add3A_37 = arith.addf %div3A_35, %add3A_36 : f32
    %sqrt3A = math.sqrt %add3A_37 : f32
    %div3A_38 = vector.broadcast %sqrt3A : f32 to vector<10000x128xf32>
    %div3A_39 = arith.divf %sub3A_28, %div3A_38 : vector<10000x128xf32>
    %get3A_40 = arith.constant 0 : index
    %get3A_41 = arith.constant 0 : index
    %get3A_42 = vector.load %arg9[%get3A_40, %get3A_41] : memref<1x128xf32, #tpu.memory_space<vmem>>, vector<1x128xf32>
    %mul3A_43 = vector.broadcast %get3A_42 : vector<1x128xf32> to vector<10000x128xf32>
    %mul3A_44 = arith.mulf %div3A_39, %mul3A_43 : vector<10000x128xf32>
    %get3A_45 = arith.constant 0 : index
    %get3A_46 = arith.constant 0 : index
    %get3A_47 = vector.load %arg10[%get3A_45, %get3A_46] : memref<1x128xf32, #tpu.memory_space<vmem>>, vector<1x128xf32>
    %add3A_48 = vector.broadcast %get3A_47 : vector<1x128xf32> to vector<10000x128xf32>
    %add3A_49 = arith.addf %mul3A_44, %add3A_48 : vector<10000x128xf32>
    %max3A = arith.constant 0.000000e+00 : f32
    %max3A_50 = vector.broadcast %max3A : f32 to vector<10000x128xf32>
    %max3A_51 = arith.maximumf %add3A_49, %max3A_50 : vector<10000x128xf32>
    %get3A_52 = arith.constant 0 : index
    %get3A_53 = arith.constant 0 : index
    %get3A_54 = vector.load %arg4[%get3A_52, %get3A_53] : memref<1x10000xi32, #tpu.memory_space<vmem>>, vector<1x10000xi32>
    %iota3A = tpu.iota {dimensions = array<i32: 0>} : vector<64x10000xi32>
    %eq3A = vector.broadcast %get3A_54 : vector<1x10000xi32> to vector<64x10000xi32>
    %eq3A_55 = arith.cmpi eq, %iota3A, %eq3A : vector<64x10000xi32>
    %convert_element_type3A = arith.extui %eq3A_55 : vector<64x10000xi1> to vector<64x10000xi32>
    %convert_element_type3A_56 = arith.sitofp %convert_element_type3A : vector<64x10000xi32> to vector<64x10000xf32>
    %dot_general3A_57 = arith.constant dense<0.000000e+00> : vector<64x128xf32>
    %dot_general3A_58 = tpu.matmul %convert_element_type3A_56, %max3A_51, %dot_general3A_57 {dimension_numbers = #tpu.dot_dimension_numbers<[1], [0], [0], [1], [0, 0, 1, 1], [], []>, transpose_lhs_hint = false} : vector<64x10000xf32>, vector<10000x128xf32>, vector<64x128xf32> -> vector<64x128xf32>
    %reduce_sum3A_59 = arith.constant dense<0.000000e+00> : vector<64xf32>
    %reduce_sum3A_60 = vector.multi_reduction <add>, %convert_element_type3A_56, %reduce_sum3A_59 [1] : vector<64x10000xf32> to vector<64xf32>
    %broadcast_in_dim3A = vector.shape_cast %reduce_sum3A_60 : vector<64xf32> to vector<64x1xf32>
    %max3A_61 = arith.constant 1.000000e+00 : f32
    %max3A_62 = vector.broadcast %max3A_61 : f32 to vector<64x1xf32>
    %max3A_63 = arith.maximumf %broadcast_in_dim3A, %max3A_62 : vector<64x1xf32>
    %div3A_64 = vector.broadcast %max3A_63 : vector<64x1xf32> to vector<64x128xf32>
    %div3A_65 = arith.divf %dot_general3A_58, %div3A_64 : vector<64x128xf32>
    %get3A_66 = arith.constant 0 : index
    %get3A_67 = arith.constant 0 : index
    %get3A_68 = vector.load %arg3[%get3A_66, %get3A_67] : memref<64x256xf32, #tpu.memory_space<vmem>>, vector<64x256xf32>
    %get3A_69 = arith.constant 0 : index
    %get3A_70 = arith.constant 0 : index
    %get3A_71 = vector.load %arg5[%get3A_69, %get3A_70] : memref<64x16xf32, #tpu.memory_space<vmem>>, vector<64x16xf32>
    %concatenate3A = tpu.concatenate %div3A_65, %get3A_68, %get3A_71 in 1 : vector<64x128xf32>, vector<64x256xf32>, vector<64x16xf32> -> vector<64x400xf32>
    %get3A_72 = arith.constant 0 : index
    %get3A_73 = arith.constant 0 : index
    %get3A_74 = vector.load %arg11[%get3A_72, %get3A_73] : memref<400x256xf32, #tpu.memory_space<vmem>>, vector<400x256xf32>
    %dot_general3A_75 = arith.constant dense<0.000000e+00> : vector<64x256xf32>
    %dot_general3A_76 = tpu.matmul %concatenate3A, %get3A_74, %dot_general3A_75 {dimension_numbers = #tpu.dot_dimension_numbers<[1], [0], [0], [1], [0, 0, 1, 1], [], []>, transpose_lhs_hint = false} : vector<64x400xf32>, vector<400x256xf32>, vector<64x256xf32> -> vector<64x256xf32>
    %get3A_77 = arith.constant 0 : index
    %get3A_78 = arith.constant 0 : index
    %get3A_79 = vector.load %arg12[%get3A_77, %get3A_78] : memref<1x256xf32, #tpu.memory_space<vmem>>, vector<1x256xf32>
    %add3A_80 = vector.broadcast %get3A_79 : vector<1x256xf32> to vector<64x256xf32>
    %add3A_81 = arith.addf %dot_general3A_76, %add3A_80 : vector<64x256xf32>
    %get3A_82 = arith.constant 0 : index
    %get3A_83 = arith.constant 0 : index
    %get3A_84 = vector.load %arg13[%get3A_82, %get3A_83] : memref<1x256xf32, #tpu.memory_space<vmem>>, vector<1x256xf32>
    %get3A_85 = arith.constant 0 : index
    %get3A_86 = arith.constant 0 : index
    %get3A_87 = vector.load %arg14[%get3A_85, %get3A_86] : memref<1x256xf32, #tpu.memory_space<vmem>>, vector<1x256xf32>
    %reduce_sum3A_88 = arith.constant dense<0.000000e+00> : vector<64xf32>
    %reduce_sum3A_89 = vector.multi_reduction <add>, %add3A_81, %reduce_sum3A_88 [1] : vector<64x256xf32> to vector<64xf32>
    %broadcast_in_dim3A_90 = vector.shape_cast %reduce_sum3A_89 : vector<64xf32> to vector<64x1xf32>
    %div3A_91 = arith.constant 2.560000e+02 : f32
    %div3A_92 = vector.broadcast %div3A_91 : f32 to vector<64x1xf32>
    %div3A_93 = arith.divf %broadcast_in_dim3A_90, %div3A_92 : vector<64x1xf32>
    %sub3A_94 = vector.broadcast %div3A_93 : vector<64x1xf32> to vector<64x256xf32>
    %sub3A_95 = arith.subf %add3A_81, %sub3A_94 : vector<64x256xf32>
    %mul3A_96 = arith.mulf %sub3A_95, %sub3A_95 : vector<64x256xf32>
    %reduce_sum3A_97 = arith.constant dense<0.000000e+00> : vector<64xf32>
    %reduce_sum3A_98 = vector.multi_reduction <add>, %mul3A_96, %reduce_sum3A_97 [1] : vector<64x256xf32> to vector<64xf32>
    %broadcast_in_dim3A_99 = vector.shape_cast %reduce_sum3A_98 : vector<64xf32> to vector<64x1xf32>
    %div3A_100 = arith.constant 2.560000e+02 : f32
    %div3A_101 = vector.broadcast %div3A_100 : f32 to vector<64x1xf32>
    %div3A_102 = arith.divf %broadcast_in_dim3A_99, %div3A_101 : vector<64x1xf32>
    %add3A_103 = arith.constant 9.99999974E-6 : f32
    %add3A_104 = vector.broadcast %add3A_103 : f32 to vector<64x1xf32>
    %add3A_105 = arith.addf %div3A_102, %add3A_104 : vector<64x1xf32>
    %sqrt3A_106 = math.sqrt %add3A_105 : vector<64x1xf32>
    %div3A_107 = vector.broadcast %sqrt3A_106 : vector<64x1xf32> to vector<64x256xf32>
    %div3A_108 = arith.divf %sub3A_95, %div3A_107 : vector<64x256xf32>
    %mul3A_109 = vector.broadcast %get3A_84 : vector<1x256xf32> to vector<64x256xf32>
    %mul3A_110 = arith.mulf %div3A_108, %mul3A_109 : vector<64x256xf32>
    %add3A_111 = vector.broadcast %get3A_87 : vector<1x256xf32> to vector<64x256xf32>
    %add3A_112 = arith.addf %mul3A_110, %add3A_111 : vector<64x256xf32>
    %max3A_113 = arith.constant 0.000000e+00 : f32
    %max3A_114 = vector.broadcast %max3A_113 : f32 to vector<64x256xf32>
    %max3A_115 = arith.maximumf %add3A_112, %max3A_114 : vector<64x256xf32>
    %get3A_116 = arith.constant 0 : index
    %get3A_117 = arith.constant 0 : index
    %get3A_118 = vector.load %arg15[%get3A_116, %get3A_117] : memref<256x128xf32, #tpu.memory_space<vmem>>, vector<256x128xf32>
    %dot_general3A_119 = arith.constant dense<0.000000e+00> : vector<64x128xf32>
    %dot_general3A_120 = tpu.matmul %max3A_115, %get3A_118, %dot_general3A_119 {dimension_numbers = #tpu.dot_dimension_numbers<[1], [0], [0], [1], [0, 0, 1, 1], [], []>, transpose_lhs_hint = false} : vector<64x256xf32>, vector<256x128xf32>, vector<64x128xf32> -> vector<64x128xf32>
    %get3A_121 = arith.constant 0 : index
    %get3A_122 = arith.constant 0 : index
    %get3A_123 = vector.load %arg16[%get3A_121, %get3A_122] : memref<1x128xf32, #tpu.memory_space<vmem>>, vector<1x128xf32>
    %add3A_124 = vector.broadcast %get3A_123 : vector<1x128xf32> to vector<64x128xf32>
    %add3A_125 = arith.addf %dot_general3A_120, %add3A_124 : vector<64x128xf32>
    %get3A_126 = arith.constant 0 : index
    %get3A_127 = arith.constant 0 : index
    %get3A_128 = vector.load %arg17[%get3A_126, %get3A_127] : memref<1x128xf32, #tpu.memory_space<vmem>>, vector<1x128xf32>
    %get3A_129 = arith.constant 0 : index
    %get3A_130 = arith.constant 0 : index
    %get3A_131 = vector.load %arg18[%get3A_129, %get3A_130] : memref<1x128xf32, #tpu.memory_space<vmem>>, vector<1x128xf32>
    %reduce_sum3A_132 = arith.constant dense<0.000000e+00> : vector<64xf32>
    %reduce_sum3A_133 = vector.multi_reduction <add>, %add3A_125, %reduce_sum3A_132 [1] : vector<64x128xf32> to vector<64xf32>
    %broadcast_in_dim3A_134 = vector.shape_cast %reduce_sum3A_133 : vector<64xf32> to vector<64x1xf32>
    %div3A_135 = arith.constant 1.280000e+02 : f32
    %div3A_136 = vector.broadcast %div3A_135 : f32 to vector<64x1xf32>
    %div3A_137 = arith.divf %broadcast_in_dim3A_134, %div3A_136 : vector<64x1xf32>
    %sub3A_138 = vector.broadcast %div3A_137 : vector<64x1xf32> to vector<64x128xf32>
    %sub3A_139 = arith.subf %add3A_125, %sub3A_138 : vector<64x128xf32>
    %mul3A_140 = arith.mulf %sub3A_139, %sub3A_139 : vector<64x128xf32>
    %reduce_sum3A_141 = arith.constant dense<0.000000e+00> : vector<64xf32>
    %reduce_sum3A_142 = vector.multi_reduction <add>, %mul3A_140, %reduce_sum3A_141 [1] : vector<64x128xf32> to vector<64xf32>
    %broadcast_in_dim3A_143 = vector.shape_cast %reduce_sum3A_142 : vector<64xf32> to vector<64x1xf32>
    %div3A_144 = arith.constant 1.280000e+02 : f32
    %div3A_145 = vector.broadcast %div3A_144 : f32 to vector<64x1xf32>
    %div3A_146 = arith.divf %broadcast_in_dim3A_143, %div3A_145 : vector<64x1xf32>
    %add3A_147 = arith.constant 9.99999974E-6 : f32
    %add3A_148 = vector.broadcast %add3A_147 : f32 to vector<64x1xf32>
    %add3A_149 = arith.addf %div3A_146, %add3A_148 : vector<64x1xf32>
    %sqrt3A_150 = math.sqrt %add3A_149 : vector<64x1xf32>
    %div3A_151 = vector.broadcast %sqrt3A_150 : vector<64x1xf32> to vector<64x128xf32>
    %div3A_152 = arith.divf %sub3A_139, %div3A_151 : vector<64x128xf32>
    %mul3A_153 = vector.broadcast %get3A_128 : vector<1x128xf32> to vector<64x128xf32>
    %mul3A_154 = arith.mulf %div3A_152, %mul3A_153 : vector<64x128xf32>
    %add3A_155 = vector.broadcast %get3A_131 : vector<1x128xf32> to vector<64x128xf32>
    %add3A_156 = arith.addf %mul3A_154, %add3A_155 : vector<64x128xf32>
    %max3A_157 = arith.constant 0.000000e+00 : f32
    %max3A_158 = vector.broadcast %max3A_157 : f32 to vector<64x128xf32>
    %max3A_159 = arith.maximumf %add3A_156, %max3A_158 : vector<64x128xf32>
    %get3A_160 = arith.constant 0 : index
    %get3A_161 = arith.constant 0 : index
    %get3A_162 = vector.load %arg19[%get3A_160, %get3A_161] : memref<128x64xf32, #tpu.memory_space<vmem>>, vector<128x64xf32>
    %dot_general3A_163 = arith.constant dense<0.000000e+00> : vector<64x64xf32>
    %dot_general3A_164 = tpu.matmul %max3A_159, %get3A_162, %dot_general3A_163 {dimension_numbers = #tpu.dot_dimension_numbers<[1], [0], [0], [1], [0, 0, 1, 1], [], []>, transpose_lhs_hint = false} : vector<64x128xf32>, vector<128x64xf32>, vector<64x64xf32> -> vector<64x64xf32>
    %get3A_165 = arith.constant 0 : index
    %get3A_166 = arith.constant 0 : index
    %get3A_167 = vector.load %arg20[%get3A_165, %get3A_166] : memref<1x64xf32, #tpu.memory_space<vmem>>, vector<1x64xf32>
    %add3A_168 = vector.broadcast %get3A_167 : vector<1x64xf32> to vector<64x64xf32>
    %add3A_169 = arith.addf %dot_general3A_164, %add3A_168 : vector<64x64xf32>
    %get3A_170 = arith.constant 0 : index
    %get3A_171 = arith.constant 0 : index
    %get3A_172 = vector.load %arg21[%get3A_170, %get3A_171] : memref<1x64xf32, #tpu.memory_space<vmem>>, vector<1x64xf32>
    %get3A_173 = arith.constant 0 : index
    %get3A_174 = arith.constant 0 : index
    %get3A_175 = vector.load %arg22[%get3A_173, %get3A_174] : memref<1x64xf32, #tpu.memory_space<vmem>>, vector<1x64xf32>
    %reduce_sum3A_176 = arith.constant dense<0.000000e+00> : vector<64xf32>
    %reduce_sum3A_177 = vector.multi_reduction <add>, %add3A_169, %reduce_sum3A_176 [1] : vector<64x64xf32> to vector<64xf32>
    %broadcast_in_dim3A_178 = vector.shape_cast %reduce_sum3A_177 : vector<64xf32> to vector<64x1xf32>
    %div3A_179 = arith.constant 6.400000e+01 : f32
    %div3A_180 = vector.broadcast %div3A_179 : f32 to vector<64x1xf32>
    %div3A_181 = arith.divf %broadcast_in_dim3A_178, %div3A_180 : vector<64x1xf32>
    %sub3A_182 = vector.broadcast %div3A_181 : vector<64x1xf32> to vector<64x64xf32>
    %sub3A_183 = arith.subf %add3A_169, %sub3A_182 : vector<64x64xf32>
    %mul3A_184 = arith.mulf %sub3A_183, %sub3A_183 : vector<64x64xf32>
    %reduce_sum3A_185 = arith.constant dense<0.000000e+00> : vector<64xf32>
    %reduce_sum3A_186 = vector.multi_reduction <add>, %mul3A_184, %reduce_sum3A_185 [1] : vector<64x64xf32> to vector<64xf32>
    %broadcast_in_dim3A_187 = vector.shape_cast %reduce_sum3A_186 : vector<64xf32> to vector<64x1xf32>
    %div3A_188 = arith.constant 6.400000e+01 : f32
    %div3A_189 = vector.broadcast %div3A_188 : f32 to vector<64x1xf32>
    %div3A_190 = arith.divf %broadcast_in_dim3A_187, %div3A_189 : vector<64x1xf32>
    %add3A_191 = arith.constant 9.99999974E-6 : f32
    %add3A_192 = vector.broadcast %add3A_191 : f32 to vector<64x1xf32>
    %add3A_193 = arith.addf %div3A_190, %add3A_192 : vector<64x1xf32>
    %sqrt3A_194 = math.sqrt %add3A_193 : vector<64x1xf32>
    %div3A_195 = vector.broadcast %sqrt3A_194 : vector<64x1xf32> to vector<64x64xf32>
    %div3A_196 = arith.divf %sub3A_183, %div3A_195 : vector<64x64xf32>
    %mul3A_197 = vector.broadcast %get3A_172 : vector<1x64xf32> to vector<64x64xf32>
    %mul3A_198 = arith.mulf %div3A_196, %mul3A_197 : vector<64x64xf32>
    %add3A_199 = vector.broadcast %get3A_175 : vector<1x64xf32> to vector<64x64xf32>
    %add3A_200 = arith.addf %mul3A_198, %add3A_199 : vector<64x64xf32>
    %max3A_201 = arith.constant 0.000000e+00 : f32
    %max3A_202 = vector.broadcast %max3A_201 : f32 to vector<64x64xf32>
    %max3A_203 = arith.maximumf %add3A_200, %max3A_202 : vector<64x64xf32>
    %get3A_204 = arith.constant 0 : index
    %get3A_205 = arith.constant 0 : index
    %get3A_206 = vector.load %arg23[%get3A_204, %get3A_205] : memref<64x2xf32, #tpu.memory_space<vmem>>, vector<64x2xf32>
    %dot_general3A_207 = arith.constant dense<0.000000e+00> : vector<64x2xf32>
    %dot_general3A_208 = tpu.matmul %max3A_203, %get3A_206, %dot_general3A_207 {dimension_numbers = #tpu.dot_dimension_numbers<[1], [0], [0], [1], [0, 0, 1, 1], [], []>, transpose_lhs_hint = false} : vector<64x64xf32>, vector<64x2xf32>, vector<64x2xf32> -> vector<64x2xf32>
    %get3A_209 = arith.constant 0 : index
    %get3A_210 = arith.constant 0 : index
    %get3A_211 = vector.load %arg24[%get3A_209, %get3A_210] : memref<1x2xf32, #tpu.memory_space<vmem>>, vector<1x2xf32>
    %add3A_212 = vector.broadcast %get3A_211 : vector<1x2xf32> to vector<64x2xf32>
    %add3A_213 = arith.addf %dot_general3A_208, %add3A_212 : vector<64x2xf32>
    %swap3A = arith.constant 0 : index
    %swap3A_214 = arith.constant 0 : index
    %swap3A_215 = vector.load %arg25[%swap3A, %swap3A_214] : memref<64x2xf32, #tpu.memory_space<vmem>>, vector<64x2xf32>
    tpu.vector_store %arg25[%swap3A, %swap3A_214], %add3A_213 {strides = array<i32>} : memref<64x2xf32, #tpu.memory_space<vmem>>, vector<64x2xf32>,
    return
  }
}

</mosaic_0001>

<sc_bundles>
// kernel: kernel.6.cloned.1.call-start
scs
__scs_entry_jumppad:
0x0: {  	(pc) =	sbr.rel $0x88, $3  }
0x1: {  	(tag) =	ssettag $0x0;
	lr =	simm.s32 $0x1  }
0x2: {  	[smem:$0x3F7F] =	sst lr;
	_ =	strace $0xD0000000  }
0x3: {  	_ = 	snop  }
0x4: {  	_ = 	snop  }
0x5: {  	_ = 	snop  }
0x6: {  	_ = 	snop  }
0x7: {  	_ = 	snop  }
__scs_overlays_trampoline_lowered:
0x8: {  	[smem:$0x3F8E] =	sst s0  }
0x9: {  	[smem:$0x3F8F] =	sst s1  }
0xa: {  	[smem:$0x3F90] =	sst s2  }
0xb: {  	[smem:$0x3F91] =	sst s3  }
0xc: {  	[smem:$0x3F92] =	sst s4  }
0xd: {  	[smem:$0x3F93] =	sst s5  }
0xe: {  	[smem:$0x3F94] =	sst s6  }
0xf: {  	[smem:$0x3F95] =	sst s7  }
0x10: {  	[smem:$0x3F96] =	sst s8  }
0x11: {  	[smem:$0x3F97] =	sst s9;
	s0 =	simm.s32 @!p0 $0x0  }
0x12: {  	s1 =	sld [smem:$0x3F7D];
	s0 =	simm.s32 @p0 $0x1  }
0x13: {  	[smem:$0x3F98] =	sst s0;
	s0 =	simm.s32 @!p1 $0x0  }
0x14: {  	s2 =	sld [smem:$0x3F7C];
	s0 =	simm.s32 @p1 $0x1  }
0x15: {  	[smem:$0x3F99] =	sst s0;
	s0 =	simm.s32 @!p2 $0x0  }
0x16: {  	s3 =	sld [smem:$0x3FDB];
	s0 =	simm.s32 @p2 $0x1  }
0x17: {  	s4 =	simm.s32 $0x1BF5;
	[smem:$0x3F9B] =	sst s0  }
0x18: {  	s0 =	sld [smem:$0x3F7E];
	_ =	swait.ge [sflag:s4], $0x0  }
0x19: {  	s7 =	sld [smem:$0x3F7F]  }
0x1a: {  	s8 =	sadd.s32 $0xFFFFE003, lr  }
0x1b: {  	s9 =	sadd.s32 $0xFFFFFEF7, lr;
	s5 =	simm.s32 $0xFFFFFFFF;
	p2 =	slt.u32 s8, $0xFFFFF086  }
0x1c: {  	p1 =	slt.u32 s9, $0xF7A;
	s5 =	simm.s32 @!p2 $0x0  }
0x1d: {  	s5 =	simm.s32 @p1 $0x1;
	p0 =	seq.s32 s7, s2  }
0x1e: {  	s7 =	smul.u32 @!p0 $0xF7A, s2;
	p2 =	seq.s32 @!p0 s5, $0x0  }
0x1f: {  	s9 =	smul.u32 $0xF7A, s1;
	s8 =	simm.s32 @!p0 $0x1BF5;
	p2 =	por !p2, p0  }
0x20: {  	[sflag:s8] =	ssyncset.s32 @!p0 $0xFFFFF086;
	s6 =	sadd.s32 @!p0 s3, s7;
	s7 =	simm.s32 @!p0 $0x108  }
0x21: {  	s3 =	sadd.s32 s3, s9;
	s6 =	sadd.s32 @!p0 $0x88, s6;
	s7 =	simm.s32 @p2 $0x1082  }
0x22: {  	[simem:s7], [sflag:s8] =	dma.local @!p0 [hbm:s6], $0xF7A  }
0x23: {  	s9 =	sor.u32 $0xD0000000, s2;
	s6 =	simm.s32 $0x108;
	_ =	swait.ge @!p0 [sflag:s8], $0x0  }
0x24: {  	s3 =	sadd.s32 $0x88, s3;
	s6 =	simm.s32 @!p1 $0x1082;
	[sflag:s4] =	ssyncset.s32 $0xFFFFF086  }
0x25: {  	[simem:s6], [sflag:s4] =	dma.local [hbm:s3], $0xF7A  }
0x26: {  	[smem:$0x3F7F] =	sst s1;
	(tag) =	ssettag s2;
	_ =	strace s9  }
0x27: {  	s1 =	sld [smem:$0x3F8F]  }
0x28: {  	s2 =	sld [smem:$0x3F90]  }
0x29: {  	s4 =	sld [smem:$0x3F92]  }
0x2a: {  	p0 =	seq.s32 s5, $0x0;
	s5 =	sld [smem:$0x3F93]  }
0x2b: {  	s6 =	sld [smem:$0x3F94]  }
0x2c: {  	s7 =	sld [smem:$0x3F95]  }
0x2d: {  	s3 =	simm.s32 $0x108;
	s8 =	sld [smem:$0x3F96]  }
0x2e: {  	s3 =	simm.s32 @!p0 $0x1082;
	s9 =	sld [smem:$0x3F97]  }
0x2f: {  	lr =	sadd.s32 s0, s3;
	s0 =	sld [smem:$0x3F8E]  }
0x30: {  	s3 =	sld [smem:$0x3F91]  }
0x31: {  	[smem:$0x3F9A] =	sst s10  }
0x32: {  	s10 =	sld [smem:$0x3F98];
	_ =	sdelay $0x3  }
0x33: {  	p0 =	seq.s32 s10, $0x1;
	s10 =	sld [smem:$0x3F9A];
	_ =	sdelay $0x3  }
0x34: {  	[smem:$0x3F9A] =	sst s10  }
0x35: {  	s10 =	sld [smem:$0x3F99];
	_ =	sdelay $0x3  }
0x36: {  	p1 =	seq.s32 s10, $0x1;
	s10 =	sld [smem:$0x3F9A];
	_ =	sdelay $0x3  }
0x37: {  	[smem:$0x3F9A] =	sst s10  }
0x38: {  	s10 =	sld [smem:$0x3F9B]  }
0x39: {  	_ = 	snop;
	(pc) =	sbr.ind lr, $3  }
0x3a: {  	_ = 	snop  }
0x3b: {  	_ = 	snop  }
0x3c: {  	p2 =	seq.s32 s10, $0x1;
	s10 =	sld [smem:$0x3F9A]  }
0x3d: {  	_ =	shalt  }
0x3e: {  	_ =	shalt  }
0x3f: {  	_ =	shalt  }
0x40: {  	_ =	shalt  }
0x41: {  	_ =	shalt  }
0x42: {  	_ =	shalt  }
0x43: {  	_ =	shalt  }
0x44: {  	_ =	shalt  }
0x45: {  	_ =	shalt  }
0x46: {  	_ =	shalt  }
0x47: {  	_ =	shalt  }
0x48: {  	_ =	shalt  }
0x49: {  	_ =	shalt  }
0x4a: {  	_ =	shalt  }
0x4b: {  	_ =	shalt  }
0x4c: {  	_ =	shalt  }
0x4d: {  	_ =	shalt  }
0x4e: {  	_ =	shalt  }
0x4f: {  	_ =	shalt  }
0x50: {  	_ =	shalt  }
0x51: {  	_ =	shalt  }
0x52: {  	_ =	shalt  }
0x53: {  	_ =	shalt  }
0x54: {  	_ =	shalt  }
0x55: {  	_ =	shalt  }
0x56: {  	_ =	shalt  }
0x57: {  	_ =	shalt  }
0x58: {  	_ =	shalt  }
0x59: {  	_ =	shalt  }
0x5a: {  	_ =	shalt  }
0x5b: {  	_ =	shalt  }
0x5c: {  	_ =	shalt  }
0x5d: {  	_ =	shalt  }
0x5e: {  	_ =	shalt  }
0x5f: {  	_ =	shalt  }
0x60: {  	_ =	shalt  }
0x61: {  	_ =	shalt  }
0x62: {  	_ =	shalt  }
0x63: {  	_ =	shalt  }
0x64: {  	_ =	shalt  }
0x65: {  	_ =	shalt  }
0x66: {  	_ =	shalt  }
0x67: {  	_ =	shalt  }
0x68: {  	_ =	shalt  }
0x69: {  	_ =	shalt  }
0x6a: {  	_ =	shalt  }
0x6b: {  	_ =	shalt  }
0x6c: {  	_ =	shalt  }
0x6d: {  	_ =	shalt  }
0x6e: {  	_ =	shalt  }
0x6f: {  	_ =	shalt  }
0x70: {  	_ =	shalt  }
0x71: {  	_ =	shalt  }
0x72: {  	_ =	shalt  }
0x73: {  	_ =	shalt  }
0x74: {  	_ =	shalt  }
0x75: {  	_ =	shalt  }
0x76: {  	_ =	shalt  }
0x77: {  	_ =	shalt  }
0x78: {  	_ =	shalt  }
0x79: {  	_ =	shalt  }
0x7a: {  	_ =	shalt  }
0x7b: {  	_ =	shalt  }
0x7c: {  	_ =	shalt  }
0x7d: {  	_ =	shalt  }
0x7e: {  	_ =	shalt  }
0x7f: {  	_ =	shalt  }
0x80: {  	_ =	shalt  }
0x81: {  	_ =	shalt  }
0x82: {  	_ =	shalt  }
0x83: {  	_ =	shalt  }
0x84: {  	_ =	shalt  }
0x85: {  	_ =	shalt  }
0x86: {  	_ =	shalt  }
0x87: {  	_ =	shalt  }
.Lfunc_end0:
.L_simem_size_0:
called_computation_lowered:
.L_overlay_start_0:
0x88: {  	s2 =	sld [smem:$0x3FD9]  }
0x89: {  	s3 =	sld [smem:$0x3FFE];
	_ =	sdelay $0x1  }
0x8a: {  	s1 =	srdreg.scid  }
0x8b: {  	s0 =	sand.u32 $0x1, s1  }
0x8c: {  	s17 =	sshll.u32 s0, $0xA;
	s2 =	sadd.s32 s3, s2  }
0x8d: {  	s2 =	sadd.s32 s2, s17  }
0x8e: {  	[smem:$0x3FA6] =	sst s2  }
0x8f: {  	_ = 	snop  }
0x90: {  	s2 =	sld [smem:$0x3FC9];
	(tm) =	ssettm $0x1  }
0x91: {  	s18 =	sld [smem:$0x3FFB];
	_ =	sdelay $0x3  }
0x92: {  	_ =	strace s18  }
0x93: {  	s3 =	sld [smem:$0x3FFC];
	_ =	sdelay $0x3  }
0x94: {  	_ =	strace s3  }
0x95: {  	s3 =	sld [smem:$0x3FFD];
	_ =	sdelay $0x3  }
0x96: {  	_ =	strace s3  }
0x97: {  	_ =	strace $0x8FFFFFFF  }
0x98: {  	s19 =	sld [smem:$0x3FDB];
	_ =	sdelay $0x1  }
0x99: {  	s4 =	simm.s32 $_scs_section_size  }
0x9a: {  	s5 =	simm.s32 $_size__tile_overlayer_lowered;
	s6 =	simm.s32 $_tile_overlayer_lowered  }
0x9b: {  	s22 =	simm.s32 $0x1BFF;
	s21 =	sshll.u32 s6, $0x1;
	s3 =	sadd.s32 s4, s19  }
0x9c: {  	s7 =	simm.s32 $0x0;
	s20 =	sshll.u32 s5, $0x1;
	s5 =	sadd.s32 s21, s3  }
0x9d: {  	[timem:s7], [sflag:s22] =	dma.local [hbm:s5], s20  }
0x9e: {  	_ =	swait.ge [sflag:s22], s20  }
0x9f: {  	s4 =	ssub.s32 $0x0, s20;
	[sflag:s22] =	ssyncset.done $0x0  }
0xa0: {  	[sflag:s22] =	ssyncadd.s32 s4;
	_ =	sdelay $0x1  }
0xa1: {  	s23 =	simm.s32 $0x1B8B  }
0xa2: {  	_ =	swait.ge [sflag:s23], $0x1  }
0xa3: {  	[sflag:s23] =	ssyncset.done $0x0  }
0xa4: {  	s25 =	simm.s32 $0x1B8E;
	s24 =	sld [smem:$0x3FFE];
	[sflag:s23] =	ssyncadd.s32 $0xFFFFFFFF  }
0xa5: {  	s26 =	simm.s32 $execute0_lowered;
	[smem:$0x3FD2] =	sst s25  }
0xa6: {  	s5 =	sshll.u32 s26, $0x1;
	_ =	strace $0x80000046;
	[dreg:$0x1] =	wrdreg $0xFFFFFFFF  }
0xa7: {  	s28 =	simm.s32 $_size_execute0_lowered;
	s3 =	sadd.s32 s3, s5;
	[dreg:$0x0] =	wrdreg $0x0  }
0xa8: {  	s5 =	sshll.u32 s28, $0x1;
	[dreg:$0x2] =	wrdreg s3  }
0xa9: {  	[dreg:$0x3] =	wrdreg s5  }
0xaa: {  	[dreg:$0x4] =	wrdreg $0xC0  }
0xab: {  	_ =	task [dreg:s7], $0x5FFFF  }
0xac: {  	[dreg:$0x1] =	wrdreg $0xFFFFFFFF  }
0xad: {  	[dreg:$0x0] =	wrdreg $0x60  }
0xae: {  	[dreg:$0x2] =	wrdreg s2  }
0xaf: {  	[dreg:$0x3] =	wrdreg s24  }
0xb0: {  	[dreg:$0x4] =	wrdreg $0x0  }
0xb1: {  	[dreg:$0x5] =	wrdreg $0x9  }
0xb2: {  	_ =	task.clear_ibuf [dreg:s7], $0x6FFFF;
	_ =	strace $0x90000046  }
0xb3: {  	s29 =	simm.s32 $0x9;
	_ =	strace $0x80000048  }
0xb4: {  	_ =	swait.ge [sflag:s29], $0x1  }
0xb5: {  	[sflag:s29] =	ssyncadd.s32 $0xFFFFFFFF  }
0xb6: {  	_ =	strace $0x90000048  }
0xb7: {  	_ =	sfence  }
0xb8: {  	s30 =	sld [smem:$0x0];
	_ =	sdelay $0x2  }
0xb9: {  	s31 =	sshll.u32 s1, $0xD;
	s1 =	sshrl.u32 s1, $0x2  }
0xba: {  	s3 =	sand.u32 $0x4000, s31;
	s1 =	sadd.s32 s1, s30  }
0xbb: {  	s0 =	sor.u32 s3, s0;
	s1 =	sshll.u32 s1, $0x11  }
0xbc: {  	s0 =	sor.u32 s1, s0  }
0xbd: {  	s0 =	sadd.s32 $0x8F2B, s0  }
0xbe: {  	[sflag:s0] =	ssyncadd.remote.s32 $0x1  }
0xbf: {  	_ =	sfence.sel $0xFFFF  }
0xc0: {  	[dreg:$0x0] =	wrdreg $0xFFFFFFFF;
	(pc) =	sbr.abs _section_cstart, $3  }
0xc1: {  	[dreg:$0x1] =	wrdreg $0xFFFFFFFF  }
0xc2: {  	_ =	task.clear_ibuf [dreg:s7], $0x2FFFF;
	_ =	strace $0x9FFFFFFF  }
0xc3: {  	(tm) =	ssettm $0x7FFFFFFF  }
tec
execute0_lowered:
.L_overlay_start_1:
0x0: {  	(tag) =	ssettag $0x1  }
0x1: {  	s1 =	rddreg [dreg:$0x0]  }
0x2: {  	s0 =	rddreg [dreg:$0x1]  }
0x3: {  	s2 =	rddreg [dreg:$0x2]  }
0x4: {  	s3 =	srdreg.scid;
	s4 =	simm.s32 $0x0;
	s14 =	stileid.u32  }
0x5: {  	s28 =	simm.s32 $0x16080;
	s30 =	simm.s32 $0x18980;
	s31 =	simm.s32 $0x16100  }
0x6: {  	s29 =	simm.s32 $0x1;
	s3 =	sand.u32 $0x1, s3;
	s10 =	smul.u32 $0x4E000, s14  }
0x7: {  	[smem:$0x7FF] =	sst s4;
	s7 =	sadd.s32 $0x6000, s0;
	s13 =	smul.u32 $0x13800, s14  }
0x8: {  	p0 =	sne.s32 s14, $0xF;
	s5 =	sshll.u32 s3, $0x4;
	s26 =	smul.u32 $0x138800, s3  }
0x9: {  	_ =	strace $0x80000047;
	s8 =	ssub.s32 $0x2, s3;
	s3 =	smul.u32 $0x27100, s3  }
0xa: {  	s5 =	sor.u32 s14, s5;
	s9 =	sshrl.u32 s8, $0x1;
	s25 =	sshrl.u32 s10, $0x2  }
0xb: {  	s6 =	smul.u32 $0x2710, s5;
	s5 =	sadd.s32 $0x19A00, s0;
	s0 =	sadd.s32 $0x1A800, s0  }
0xc: {  	s8 =	ssub.s32 s8, s9;
	s12 =	sadd.s32 s25, s2;
	s9 =	sadd.s32 s13, s26  }
0xd: {  	s10 =	sshrl.u32 s26, $0x3;
	s13 =	smul.u32 $0x2710, s14;
	s16 =	sadd.s32 $0x6800, s12  }
0xe: {  	[dreg:$0x6] =	wrdreg s12;
	s12 =	sadd.s32 $0xD000, s12;
	s9 =	sshrl.u32 s9, $0x3  }
0xf: {  	s10 =	sadd.s32 s0, s10;
	s20 =	smax.u32 s8, $0x1;
	s6 =	sshrl.u32 s6, $0x3  }
0x10: {  	s0 =	sadd.s32 s0, s9;
	s19 =	sadd.s32 $0x27000, s10;
	[dreg:$0xb] =	wrdreg s20  }
0x11: {  	s22 =	sadd.s32 s13, s3;
	s26 =	sshrl.u32 s16, $0x3;
	[dreg:$0x9] =	wrdreg s0  }
0x12: {  	s10 =	simm.s32 $0x5;
	s6 =	sadd.s32 s7, s6;
	[dreg:$0xa] =	wrdreg s19  }
0x13: {  	s25 =	sadd.s32 $0x4E3E0, s22;
	s0 =	sadd.s32 $0x4E390, s22;
	[dreg:$0xe] =	wrdreg s26  }
0x14: {  	s26 =	simm.s32 $0x16180;
	s24 =	sadd.s32 $0x9C40, s6;
	s11 =	sadd.s32 $0x9C4A, s6  }
0x15: {  	s15 =	sadd.s32 $0x9C54, s6;
	s21 =	sadd.s32 $0x9C5E, s6;
	[dreg:$0x4] =	wrdreg s24  }
0x16: {  	s23 =	sadd.s32 $0x9C68, s6;
	s8 =	sshrl.u32 s25, $0x3;
	[dreg:$0x5] =	wrdreg s11  }
0x17: {  	s0 =	sshrl.u32 s0, $0x3;
	s25 =	sshrl.u32 s12, $0x3;
	[dreg:$0x7] =	wrdreg s15  }
0x18: {  	s12 =	simm.s32 $0x0;
	s15 =	sadd.s32 $0x138000, s2;
	[dreg:$0xc] =	wrdreg s21  }
0x19: {  	[dreg:$0xd] =	wrdreg s23;
	s24 =	sadd.s32 $0x4E430, s22;
	s18 =	sadd.s32 s8, s7  }
0x1a: {  	s19 =	sadd.s32 s0, s7;
	s21 =	simm.s32 $0x8;
	s22 =	simm.s32 $0x16000  }
0x1b: {  	s23 =	simm.s32 $0x50;
	s0 =	simm.s32 $0x2;
	s8 =	simm.s32 $0x3  }
0x1c: {  	s11 =	simm.s32 $0x6;
	[dreg:$0x8] =	wrdreg s15;
	s3 =	sshrl.u32 s24, $0x3  }
0x1d: {  	s17 =	sadd.s32 s3, s7;
	s3 =	simm.s32 $0x1B180;
	s7 =	simm.s32 $0x4  }
.LBB2_1:
0x1e: {  	s13 =	simm.s32 $0x13880  }
0x1f: {  	[tilespmem:s13], [sflag:$0x8] =	stream.linear.gather [hbm4b:s6+s4], $0x2710, $0x38;
	[tilespmem:$0x1D980] =	vst v63  }
0x20: {  	_ =	swait.ge [sflag:s21], $0x2710  }
0x21: {  	[sflag:s21] =	ssyncset.done $0x0  }
0x22: {  	s9 =	rddreg [dreg:$0x4];
	[sflag:s21] =	ssyncadd.s32 $0xFFFFD8F0  }
0x23: {  	[tilespmem:s22], [sflag:$0x1] =	stream.linear.gather [hbm4b:s9+s4], $0x50, $0x38;
	[tilespmem:$0x1D980] =	vst v63  }
0x24: {  	_ = 	snop  }
0x25: {  	[tilespmem:s26], [sflag:$0x1] =	stream.indirect.gather [hbm4b:s1+s23], $0x80, s13, s23, $0xb8;
	[tilespmem:$0x1D980] =	vst v63  }
0x26: {  	s13 =	rddreg [dreg:$0x5]  }
0x27: {  	[tilespmem:s28], [sflag:$0x2] =	stream.linear.gather [hbm4b:s13+s4], $0x50, $0x38;
	[tilespmem:$0x1D980] =	vst v63  }
0x28: {  	s14 =	simm.s32 $0x138D0;
	s20 =	stileid.u32;
	s15 =	rddreg [dreg:$0x7]  }
0x29: {  	[tilespmem:s30], [sflag:$0x2] =	stream.indirect.gather [hbm4b:s1+s23], $0x80, s14, s23, $0xb8;
	[tilespmem:$0x1D980] =	vst v63  }
0x2a: {  	s13 =	sshll.u32 s20, $0x6;
	s14 =	rddreg [dreg:$0x6]  }
0x2b: {  	[tilespmem:s31], [sflag:$0x3] =	stream.linear.gather [hbm4b:s15+s4], $0x50, $0x38;
	[tilespmem:$0x1D980] =	vst v63  }
0x2c: {  	s16 =	simm.s32 $0x13920;
	s9 =	sor.u32 $0x1C07, s13;
	s14 =	sshrl.u32 s14, $0x3  }
0x2d: {  	[tilespmem:s3], [sflag:$0x3] =	stream.indirect.gather [hbm4b:s1+s23], $0x80, s16, s23, $0xb8;
	[tilespmem:$0x1D980] =	vst v63  }
0x2e: {  	[spmem:s14], [sflag:s9] =	dma.local [hbm:s5], $0xD00  }
0x2f: {  	s15 =	rddreg [dreg:$0xe]  }
0x30: {  	[spmem:s15], [sflag:s9] =	dma.local [hbm:s5], $0xD00  }
0x31: {  	s15 =	simm.s32 @p0 $0x7  }
0x32: {  	[spmem:s25], [sflag:s9] =	dma.local [hbm:s5], $0xD00  }
0x33: {  	_ =	swait.ge @p0 [sflag:s15], $0xD00  }
0x34: {  	[sflag:s15] =	ssyncset.done @p0 $0x0  }
0x35: {  	[sflag:s15] =	ssyncadd.s32 @p0 $0xFFFFF300  }
0x36: {  	_ =	swait.ge @p0 [sflag:s15], $0xD00  }
0x37: {  	[sflag:s15] =	ssyncset.done @p0 $0x0  }
0x38: {  	[sflag:s15] =	ssyncadd.s32 @p0 $0xFFFFF300  }
0x39: {  	_ =	swait.ge @p0 [sflag:s15], $0xD00  }
0x3a: {  	[sflag:s15] =	ssyncset.done @p0 $0x0  }
0x3b: {  	[sflag:s15] =	ssyncadd.s32 @p0 $0xFFFFF300;
	s15 =	rddreg [dreg:$0x8]  }
0x3c: {  	s15 =	sshrl.u32 @!p0 s15, $0x3  }
0x3d: {  	[spmem:s15], [sflag:s9] =	dma.local @!p0 [hbm:s5], $0x100  }
0x3e: {  	s9 =	simm.s32 @!p0 $0x7  }
0x3f: {  	_ =	swait.ge @!p0 [sflag:s9], $0xD00  }
0x40: {  	[sflag:s9] =	ssyncset.done @!p0 $0x0  }
0x41: {  	[sflag:s9] =	ssyncadd.s32 @!p0 $0xFFFFF300  }
0x42: {  	_ =	swait.ge @!p0 [sflag:s9], $0xD00  }
0x43: {  	[sflag:s9] =	ssyncset.done @!p0 $0x0  }
0x44: {  	[sflag:s9] =	ssyncadd.s32 @!p0 $0xFFFFF300  }
0x45: {  	_ =	swait.ge @!p0 [sflag:s9], $0xD00  }
0x46: {  	[sflag:s9] =	ssyncset.done @!p0 $0x0  }
0x47: {  	[sflag:s9] =	ssyncadd.s32 @!p0 $0xFFFFF300  }
0x48: {  	_ =	swait.ge @!p0 [sflag:s9], $0x100  }
0x49: {  	[sflag:s9] =	ssyncset.done @!p0 $0x0  }
0x4a: {  	[sflag:s9] =	ssyncadd.s32 @!p0 $0xFFFFFF00  }
0x4b: {  	[bflag:$0x0] =	sbarrier.arrive $0xFFFF  }
0x4c: {  	_ =	swait.ge [sflag:s29], $0x50  }
0x4d: {  	[sflag:s29] =	ssyncset.done $0x0  }
0x4e: {  	[sflag:s29] =	ssyncadd.s32 $0xFFFFFFB0  }
0x4f: {  	_ =	swait.ge [sflag:s29], $0x2800  }
0x50: {  	[sflag:s29] =	ssyncset.done $0x0  }
0x51: {  	[sflag:s29] =	ssyncadd.s32 $0xFFFFD800  }
0x52: {  	[spmem:s2] =	stream.indirect.scatter.add.f32 [tilespmem:s26], [sflag:$0x4], $0x80, s22, s23, $0xb8;
	[tilespmem:$0x1D980] =	vst v63  }
0x53: {  	_ =	swait.ge [sflag:s0], $0x50  }
0x54: {  	[sflag:s0] =	ssyncset.done $0x0  }
0x55: {  	[sflag:s0] =	ssyncadd.s32 $0xFFFFFFB0  }
0x56: {  	_ =	swait.ge [sflag:s0], $0x2800  }
0x57: {  	[sflag:s0] =	ssyncset.done $0x0  }
0x58: {  	[sflag:s0] =	ssyncadd.s32 $0xFFFFD800  }
0x59: {  	_ =	swait.ge [sflag:s7], $0x2800  }
0x5a: {  	[sflag:s7] =	ssyncset.done $0x0  }
0x5b: {  	s24 =	rddreg [dreg:$0xc];
	[sflag:s7] =	ssyncadd.s32 $0xFFFFD800  }
0x5c: {  	[tilespmem:s22], [sflag:$0x1] =	stream.linear.gather [hbm4b:s24+s4], $0x50, $0x38;
	[tilespmem:$0x1D980] =	vst v63  }
0x5d: {  	s16 =	simm.s32 $0x13970  }
0x5e: {  	[tilespmem:s26], [sflag:$0x1] =	stream.indirect.gather [hbm4b:s1+s23], $0x80, s16, s23, $0xb8;
	[tilespmem:$0x1D980] =	vst v63  }
0x5f: {  	_ = 	snop  }
0x60: {  	[spmem:s2] =	stream.indirect.scatter.add.f32 [tilespmem:s30], [sflag:$0x5], $0x80, s28, s23, $0xb8;
	[tilespmem:$0x1D980] =	vst v63  }
0x61: {  	_ =	swait.ge [sflag:s8], $0x50  }
0x62: {  	[sflag:s8] =	ssyncset.done $0x0  }
0x63: {  	[sflag:s8] =	ssyncadd.s32 $0xFFFFFFB0  }
0x64: {  	_ =	swait.ge [sflag:s8], $0x2800  }
0x65: {  	[sflag:s8] =	ssyncset.done $0x0  }
0x66: {  	[sflag:s8] =	ssyncadd.s32 $0xFFFFD800  }
0x67: {  	_ =	swait.ge [sflag:s10], $0x2800  }
0x68: {  	[sflag:s10] =	ssyncset.done $0x0  }
0x69: {  	s20 =	rddreg [dreg:$0xd];
	[sflag:s10] =	ssyncadd.s32 $0xFFFFD800  }
0x6a: {  	[tilespmem:s28], [sflag:$0x2] =	stream.linear.gather [hbm4b:s20+s4], $0x50, $0x38;
	[tilespmem:$0x1D980] =	vst v63  }
0x6b: {  	s24 =	simm.s32 $0x139C0  }
0x6c: {  	[tilespmem:s30], [sflag:$0x2] =	stream.indirect.gather [hbm4b:s1+s23], $0x80, s24, s23, $0xb8;
	[tilespmem:$0x1D980] =	vst v63  }
0x6d: {  	_ = 	snop  }
0x6e: {  	[spmem:s2] =	stream.indirect.scatter.add.f32 [tilespmem:s3], [sflag:$0x6], $0x80, s31, s23, $0xb8;
	[tilespmem:$0x1D980] =	vst v63  }
0x6f: {  	_ =	swait.ge [sflag:s29], $0x50  }
0x70: {  	[sflag:s29] =	ssyncset.done $0x0  }
0x71: {  	[sflag:s29] =	ssyncadd.s32 $0xFFFFFFB0  }
0x72: {  	_ =	swait.ge [sflag:s29], $0x2800  }
0x73: {  	[sflag:s29] =	ssyncset.done $0x0  }
0x74: {  	[sflag:s29] =	ssyncadd.s32 $0xFFFFD800  }
0x75: {  	_ =	swait.ge [sflag:s11], $0x2800  }
0x76: {  	[sflag:s11] =	ssyncset.done $0x0  }
0x77: {  	s16 =	sadd.s32 $0x0, s19;
	[sflag:s11] =	ssyncadd.s32 $0xFFFFD800  }
0x78: {  	[tilespmem:s31], [sflag:$0x3] =	stream.linear.gather [hbm4b:s16+s4], $0x50, $0x38;
	[tilespmem:$0x1D980] =	vst v63  }
0x79: {  	s20 =	simm.s32 $0x13A10  }
0x7a: {  	[tilespmem:s3], [sflag:$0x3] =	stream.indirect.gather [hbm4b:s1+s23], $0x80, s20, s23, $0xb8;
	[tilespmem:$0x1D980] =	vst v63  }
0x7b: {  	_ = 	snop  }
0x7c: {  	[spmem:s2] =	stream.indirect.scatter.add.f32 [tilespmem:s26], [sflag:$0x4], $0x80, s22, s23, $0xb8;
	[tilespmem:$0x1D980] =	vst v63  }
0x7d: {  	_ =	swait.ge [sflag:s0], $0x50  }
0x7e: {  	[sflag:s0] =	ssyncset.done $0x0  }
0x7f: {  	[sflag:s0] =	ssyncadd.s32 $0xFFFFFFB0  }
0x80: {  	_ =	swait.ge [sflag:s0], $0x2800  }
0x81: {  	[sflag:s0] =	ssyncset.done $0x0  }
0x82: {  	[sflag:s0] =	ssyncadd.s32 $0xFFFFD800  }
0x83: {  	_ =	swait.ge [sflag:s7], $0x2800  }
0x84: {  	[sflag:s7] =	ssyncset.done $0x0  }
0x85: {  	s24 =	sadd.s32 $0x0, s18;
	[sflag:s7] =	ssyncadd.s32 $0xFFFFD800  }
0x86: {  	[tilespmem:s22], [sflag:$0x1] =	stream.linear.gather [hbm4b:s24+s4], $0x50, $0x38;
	[tilespmem:$0x1D980] =	vst v63  }
0x87: {  	s16 =	simm.s32 $0x13A60  }
0x88: {  	[tilespmem:s26], [sflag:$0x1] =	stream.indirect.gather [hbm4b:s1+s23], $0x80, s16, s23, $0xb8;
	[tilespmem:$0x1D980] =	vst v63  }
0x89: {  	_ = 	snop  }
0x8a: {  	[spmem:s2] =	stream.indirect.scatter.add.f32 [tilespmem:s30], [sflag:$0x5], $0x80, s28, s23, $0xb8;
	[tilespmem:$0x1D980] =	vst v63  }
0x8b: {  	_ =	swait.ge [sflag:s8], $0x50  }
0x8c: {  	[sflag:s8] =	ssyncset.done $0x0  }
0x8d: {  	[sflag:s8] =	ssyncadd.s32 $0xFFFFFFB0  }
0x8e: {  	_ =	swait.ge [sflag:s8], $0x2800  }
0x8f: {  	[sflag:s8] =	ssyncset.done $0x0  }
0x90: {  	[sflag:s8] =	ssyncadd.s32 $0xFFFFD800  }
0x91: {  	_ =	swait.ge [sflag:s10], $0x2800  }
0x92: {  	[sflag:s10] =	ssyncset.done $0x0  }
0x93: {  	s20 =	sadd.s32 $0x0, s17;
	[sflag:s10] =	ssyncadd.s32 $0xFFFFD800  }
0x94: {  	[tilespmem:s28], [sflag:$0x2] =	stream.linear.gather [hbm4b:s20+s4], $0x50, $0x38;
	[tilespmem:$0x1D980] =	vst v63  }
0x95: {  	s9 =	simm.s32 $0x13BA0;
	s24 =	simm.s32 $0x13AB0;
	s16 =	simm.s32 $0x1E  }
0x96: {  	[tilespmem:s30], [sflag:$0x2] =	stream.indirect.gather [hbm4b:s1+s23], $0x80, s24, s23, $0xb8;
	[tilespmem:$0x1D980] =	vst v63  }
.LBB2_2:
0x97: {  	[spmem:s2] =	stream.indirect.scatter.add.f32 [tilespmem:s3], [sflag:$0x6], $0x80, s31, s23, $0xb8;
	[tilespmem:$0x1D980] =	vst v63  }
0x98: {  	s20 =	smov.u32 s16  }
0x99: {  	p1 =	sne.s32 s16, $0x492;
	s16 =	sadd.s32 $0x1E, s16;
	_ =	swait.ge [sflag:s29], $0x50  }
0x9a: {  	[sflag:s29] =	ssyncset.done $0x0  }
0x9b: {  	[sflag:s29] =	ssyncadd.s32 $0xFFFFFFB0  }
0x9c: {  	_ =	swait.ge [sflag:s29], $0x2800  }
0x9d: {  	[sflag:s29] =	ssyncset.done $0x0  }
0x9e: {  	[sflag:s29] =	ssyncadd.s32 $0xFFFFD800  }
0x9f: {  	_ =	swait.ge [sflag:s11], $0x2800  }
0xa0: {  	[sflag:s11] =	ssyncset.done $0x0  }
0xa1: {  	s24 =	sadd.s32 s20, s19;
	[sflag:s11] =	ssyncadd.s32 $0xFFFFD800  }
0xa2: {  	[tilespmem:s31], [sflag:$0x3] =	stream.linear.gather [hbm4b:s24+s4], $0x50, $0x38;
	[tilespmem:$0x1D980] =	vst v63  }
0xa3: {  	s24 =	sadd.s32 $0xFFFFFF60, s9  }
0xa4: {  	[tilespmem:s3], [sflag:$0x3] =	stream.indirect.gather [hbm4b:s1+s23], $0x80, s24, s23, $0xb8;
	[tilespmem:$0x1D980] =	vst v63  }
0xa5: {  	_ = 	snop  }
0xa6: {  	[spmem:s2] =	stream.indirect.scatter.add.f32 [tilespmem:s26], [sflag:$0x4], $0x80, s22, s23, $0xb8;
	[tilespmem:$0x1D980] =	vst v63  }
0xa7: {  	_ =	swait.ge [sflag:s0], $0x50  }
0xa8: {  	[sflag:s0] =	ssyncset.done $0x0  }
0xa9: {  	[sflag:s0] =	ssyncadd.s32 $0xFFFFFFB0  }
0xaa: {  	_ =	swait.ge [sflag:s0], $0x2800  }
0xab: {  	[sflag:s0] =	ssyncset.done $0x0  }
0xac: {  	[sflag:s0] =	ssyncadd.s32 $0xFFFFD800  }
0xad: {  	_ =	swait.ge [sflag:s7], $0x2800  }
0xae: {  	[sflag:s7] =	ssyncset.done $0x0  }
0xaf: {  	s24 =	sadd.s32 s20, s18;
	[sflag:s7] =	ssyncadd.s32 $0xFFFFD800  }
0xb0: {  	[tilespmem:s22], [sflag:$0x1] =	stream.linear.gather [hbm4b:s24+s4], $0x50, $0x38;
	[tilespmem:$0x1D980] =	vst v63  }
0xb1: {  	s24 =	sadd.s32 $0xFFFFFFB0, s9  }
0xb2: {  	[tilespmem:s26], [sflag:$0x1] =	stream.indirect.gather [hbm4b:s1+s23], $0x80, s24, s23, $0xb8;
	[tilespmem:$0x1D980] =	vst v63  }
0xb3: {  	_ = 	snop  }
0xb4: {  	[spmem:s2] =	stream.indirect.scatter.add.f32 [tilespmem:s30], [sflag:$0x5], $0x80, s28, s23, $0xb8;
	[tilespmem:$0x1D980] =	vst v63  }
0xb5: {  	_ =	swait.ge [sflag:s8], $0x50  }
0xb6: {  	[sflag:s8] =	ssyncset.done $0x0  }
0xb7: {  	[sflag:s8] =	ssyncadd.s32 $0xFFFFFFB0  }
0xb8: {  	_ =	swait.ge [sflag:s8], $0x2800  }
0xb9: {  	[sflag:s8] =	ssyncset.done $0x0  }
0xba: {  	[sflag:s8] =	ssyncadd.s32 $0xFFFFD800  }
0xbb: {  	_ =	swait.ge [sflag:s10], $0x2800  }
0xbc: {  	[sflag:s10] =	ssyncset.done $0x0  }
.Ltmp0:
0xbd: {  	s20 =	sadd.s32 s20, s17;
	[sflag:s10] =	ssyncadd.s32 $0xFFFFD800;
	(pc) =	sbr.rel @p1 .LBB2_2-.Ltmp0, $4  }
0xbe: {  	[tilespmem:s28], [sflag:$0x2] =	stream.linear.gather [hbm4b:s20+s4], $0x50, $0x38;
	[tilespmem:$0x1D980] =	vst v63  }
0xbf: {  	_ = 	snop  }
0xc0: {  	[tilespmem:s30], [sflag:$0x2] =	stream.indirect.gather [hbm4b:s1+s23], $0x80, s9, s23, $0xb8;
	[tilespmem:$0x1D980] =	vst v63  }
0xc1: {  	s9 =	sadd.s32 $0xF0, s9  }
0xc2: {  	[spmem:s2] =	stream.indirect.scatter.add.f32 [tilespmem:s3], [sflag:$0x6], $0x80, s31, s23, $0xb8;
	[tilespmem:$0x1D980] =	vst v63  }
0xc3: {  	_ =	swait.ge [sflag:s29], $0x50  }
0xc4: {  	[sflag:s29] =	ssyncset.done $0x0  }
0xc5: {  	[sflag:s29] =	ssyncadd.s32 $0xFFFFFFB0  }
0xc6: {  	_ =	swait.ge [sflag:s29], $0x2800  }
0xc7: {  	[sflag:s29] =	ssyncset.done $0x0  }
0xc8: {  	[sflag:s29] =	ssyncadd.s32 $0xFFFFD800  }
0xc9: {  	_ =	swait.ge [sflag:s11], $0x2800  }
0xca: {  	[sflag:s11] =	ssyncset.done $0x0  }
0xcb: {  	[sflag:s11] =	ssyncadd.s32 $0xFFFFD800  }
0xcc: {  	[spmem:s2] =	stream.indirect.scatter.add.f32 [tilespmem:s26], [sflag:$0x4], $0x80, s22, s23, $0xb8;
	[tilespmem:$0x1D980] =	vst v63  }
0xcd: {  	_ =	swait.ge [sflag:s0], $0x50  }
0xce: {  	[sflag:s0] =	ssyncset.done $0x0  }
0xcf: {  	[sflag:s0] =	ssyncadd.s32 $0xFFFFFFB0  }
0xd0: {  	_ =	swait.ge [sflag:s0], $0x2800  }
0xd1: {  	[sflag:s0] =	ssyncset.done $0x0  }
0xd2: {  	[sflag:s0] =	ssyncadd.s32 $0xFFFFD800  }
0xd3: {  	_ =	swait.ge [sflag:s7], $0x2800  }
0xd4: {  	[sflag:s7] =	ssyncset.done $0x0  }
0xd5: {  	[sflag:s7] =	ssyncadd.s32 $0xFFFFD800  }
0xd6: {  	[spmem:s2] =	stream.indirect.scatter.add.f32 [tilespmem:s30], [sflag:$0x5], $0x80, s28, s23, $0xb8;
	[tilespmem:$0x1D980] =	vst v63  }
0xd7: {  	_ =	swait.ge [sflag:s10], $0x2800  }
0xd8: {  	[sflag:s10] =	ssyncset.done $0x0  }
0xd9: {  	[sflag:s10] =	ssyncadd.s32 $0xFFFFD800  }
0xda: {  	[bflag:$0x0] =	sbarrier.arrive $0xFFFF  }
0xdb: {  	s9 =	sor.u32 $0x1C08, s13;
	s20 =	rddreg [dreg:$0x9]  }
0xdc: {  	[hbm:s20], [sflag:s9] =	dma.local [spmem:s14], $0x2700  }
0xdd: {  	_ =	swait.ge [sflag:s21], $0x2700  }
0xde: {  	[sflag:s21] =	ssyncset.done $0x0  }
0xdf: {  	s13 =	rddreg [dreg:$0xa];
	[sflag:s21] =	ssyncadd.s32 $0xFFFFD900  }
0xe0: {  	[hbm:s13], [sflag:s9] =	dma.local @!p0 [spmem:s15], $0x100  }
0xe1: {  	s9 =	simm.s32 @!p0 $0x8  }
0xe2: {  	_ =	swait.ge @!p0 [sflag:s9], $0x100  }
0xe3: {  	s12 =	sadd.s32 $0x1, s12;
	s24 =	rddreg [dreg:$0xb]  }
0xe4: {  	p1 =	sne.s32 s12, s24  }
.Ltmp1:
0xe5: {  	_ = 	snop;
	(pc) =	sbr.rel @p1 .LBB2_1-.Ltmp1, $3  }
0xe6: {  	_ =	sdelay $0x1  }
0xe7: {  	[sflag:s9] =	ssyncset.done @!p0 $0x0  }
0xe8: {  	[sflag:s9] =	ssyncadd.s32 @!p0 $0xFFFFFF00  }
0xe9: {  	_ =	sfence.sel $0x180000  }
0xea: {  	[bflag:$0x0] =	sbarrier.arrive $0xFFFF  }
0xeb: {  	_ =	strace $0x90000047  }
0xec: {  	s0 =	stileid.u32;
	[bflag:$0x2] =	sbarrier.arrive $0xFFFF  }
0xed: {  	p0 =	sne.s32 s0, $0x0;
	s0 =	rddreg [dreg:$0x3]  }
0xee: {  	s0 =	sadd.s32 @!p0 $0x100000, s0  }
0xef: {  	[sflag:s0] =	ssyncadd.tile.s32 @!p0 $0x1;
	_ =	shalt  }
.Lfunc_end2:
_tile_overlayer_lowered:
.L_overlay_start_2:
0xf0: {  	(tag) =	ssettag $0x2  }
0xf1: {  	s0 =	rddreg [dreg:$0x0];
	s2 =	stileid.u32  }
0xf2: {  	s1 =	rddreg [dreg:$0x1];
	p0 =	sne.s32 s2, $0x0  }
0xf3: {  	s3 =	rddreg [dreg:$0x2];
	[bflag:$0x3] =	sbarrier.arrive $0xFFFF;
	s2 =	simm.s32 @!p0 $0x1C08  }
0xf4: {  	[timem:s3], [sflag:s2] =	dma.local @!p0 [hbm:s0], s1  }
0xf5: {  	s0 =	simm.s32 @!p0 $0x8  }
0xf6: {  	_ =	swait.ge @!p0 [sflag:s0], s1  }
0xf7: {  	s1 =	ssub.s32 @!p0 $0x0, s1;
	[sflag:s0] =	ssyncset.done @!p0 $0x0  }
0xf8: {  	[sflag:s0] =	ssyncadd.s32 @!p0 s1  }
0xf9: {  	[bflag:$0x3] =	sbarrier.arrive $0xFFFF  }
0xfa: {  	_ =	shalt  }

// kernel: kernel.9.cloned.1.call-start
scs
__scs_entry_jumppad:
0x0: {  	(pc) =	sbr.rel $0x88, $3  }
0x1: {  	(tag) =	ssettag $0x0;
	lr =	simm.s32 $0x1  }
0x2: {  	[smem:$0x3F7F] =	sst lr;
	_ =	strace $0xD0000000  }
0x3: {  	_ = 	snop  }
0x4: {  	_ = 	snop  }
0x5: {  	_ = 	snop  }
0x6: {  	_ = 	snop  }
0x7: {  	_ = 	snop  }
__scs_overlays_trampoline_lowered:
0x8: {  	[smem:$0x3F8E] =	sst s0  }
0x9: {  	[smem:$0x3F8F] =	sst s1  }
0xa: {  	[smem:$0x3F90] =	sst s2  }
0xb: {  	[smem:$0x3F91] =	sst s3  }
0xc: {  	[smem:$0x3F92] =	sst s4  }
0xd: {  	[smem:$0x3F93] =	sst s5  }
0xe: {  	[smem:$0x3F94] =	sst s6  }
0xf: {  	[smem:$0x3F95] =	sst s7  }
0x10: {  	[smem:$0x3F96] =	sst s8  }
0x11: {  	[smem:$0x3F97] =	sst s9;
	s0 =	simm.s32 @!p0 $0x0  }
0x12: {  	s1 =	sld [smem:$0x3F7D];
	s0 =	simm.s32 @p0 $0x1  }
0x13: {  	[smem:$0x3F98] =	sst s0;
	s0 =	simm.s32 @!p1 $0x0  }
0x14: {  	s2 =	sld [smem:$0x3F7C];
	s0 =	simm.s32 @p1 $0x1  }
0x15: {  	[smem:$0x3F99] =	sst s0;
	s0 =	simm.s32 @!p2 $0x0  }
0x16: {  	s3 =	sld [smem:$0x3FDB];
	s0 =	simm.s32 @p2 $0x1  }
0x17: {  	s4 =	simm.s32 $0x1BF5;
	[smem:$0x3F9B] =	sst s0  }
0x18: {  	s0 =	sld [smem:$0x3F7E];
	_ =	swait.ge [sflag:s4], $0x0  }
0x19: {  	s7 =	sld [smem:$0x3F7F]  }
0x1a: {  	s8 =	sadd.s32 $0xFFFFE003, lr  }
0x1b: {  	s9 =	sadd.s32 $0xFFFFFEF7, lr;
	s5 =	simm.s32 $0xFFFFFFFF;
	p2 =	slt.u32 s8, $0xFFFFF086  }
0x1c: {  	p1 =	slt.u32 s9, $0xF7A;
	s5 =	simm.s32 @!p2 $0x0  }
0x1d: {  	s5 =	simm.s32 @p1 $0x1;
	p0 =	seq.s32 s7, s2  }
0x1e: {  	s7 =	smul.u32 @!p0 $0xF7A, s2;
	p2 =	seq.s32 @!p0 s5, $0x0  }
0x1f: {  	s9 =	smul.u32 $0xF7A, s1;
	s8 =	simm.s32 @!p0 $0x1BF5;
	p2 =	por !p2, p0  }
0x20: {  	[sflag:s8] =	ssyncset.s32 @!p0 $0xFFFFF086;
	s6 =	sadd.s32 @!p0 s3, s7;
	s7 =	simm.s32 @!p0 $0x108  }
0x21: {  	s3 =	sadd.s32 s3, s9;
	s6 =	sadd.s32 @!p0 $0x88, s6;
	s7 =	simm.s32 @p2 $0x1082  }
0x22: {  	[simem:s7], [sflag:s8] =	dma.local @!p0 [hbm:s6], $0xF7A  }
0x23: {  	s9 =	sor.u32 $0xD0000000, s2;
	s6 =	simm.s32 $0x108;
	_ =	swait.ge @!p0 [sflag:s8], $0x0  }
0x24: {  	s3 =	sadd.s32 $0x88, s3;
	s6 =	simm.s32 @!p1 $0x1082;
	[sflag:s4] =	ssyncset.s32 $0xFFFFF086  }
0x25: {  	[simem:s6], [sflag:s4] =	dma.local [hbm:s3], $0xF7A  }
0x26: {  	[smem:$0x3F7F] =	sst s1;
	(tag) =	ssettag s2;
	_ =	strace s9  }
0x27: {  	s1 =	sld [smem:$0x3F8F]  }
0x28: {  	s2 =	sld [smem:$0x3F90]  }
0x29: {  	s4 =	sld [smem:$0x3F92]  }
0x2a: {  	p0 =	seq.s32 s5, $0x0;
	s5 =	sld [smem:$0x3F93]  }
0x2b: {  	s6 =	sld [smem:$0x3F94]  }
0x2c: {  	s7 =	sld [smem:$0x3F95]  }
0x2d: {  	s3 =	simm.s32 $0x108;
	s8 =	sld [smem:$0x3F96]  }
0x2e: {  	s3 =	simm.s32 @!p0 $0x1082;
	s9 =	sld [smem:$0x3F97]  }
0x2f: {  	lr =	sadd.s32 s0, s3;
	s0 =	sld [smem:$0x3F8E]  }
0x30: {  	s3 =	sld [smem:$0x3F91]  }
0x31: {  	[smem:$0x3F9A] =	sst s10  }
0x32: {  	s10 =	sld [smem:$0x3F98];
	_ =	sdelay $0x3  }
0x33: {  	p0 =	seq.s32 s10, $0x1;
	s10 =	sld [smem:$0x3F9A];
	_ =	sdelay $0x3  }
0x34: {  	[smem:$0x3F9A] =	sst s10  }
0x35: {  	s10 =	sld [smem:$0x3F99];
	_ =	sdelay $0x3  }
0x36: {  	p1 =	seq.s32 s10, $0x1;
	s10 =	sld [smem:$0x3F9A];
	_ =	sdelay $0x3  }
0x37: {  	[smem:$0x3F9A] =	sst s10  }
0x38: {  	s10 =	sld [smem:$0x3F9B]  }
0x39: {  	_ = 	snop;
	(pc) =	sbr.ind lr, $3  }
0x3a: {  	_ = 	snop  }
0x3b: {  	_ = 	snop  }
0x3c: {  	p2 =	seq.s32 s10, $0x1;
	s10 =	sld [smem:$0x3F9A]  }
0x3d: {  	_ =	shalt  }
0x3e: {  	_ =	shalt  }
0x3f: {  	_ =	shalt  }
0x40: {  	_ =	shalt  }
0x41: {  	_ =	shalt  }
0x42: {  	_ =	shalt  }
0x43: {  	_ =	shalt  }
0x44: {  	_ =	shalt  }
0x45: {  	_ =	shalt  }
0x46: {  	_ =	shalt  }
0x47: {  	_ =	shalt  }
0x48: {  	_ =	shalt  }
0x49: {  	_ =	shalt  }
0x4a: {  	_ =	shalt  }
0x4b: {  	_ =	shalt  }
0x4c: {  	_ =	shalt  }
0x4d: {  	_ =	shalt  }
0x4e: {  	_ =	shalt  }
0x4f: {  	_ =	shalt  }
0x50: {  	_ =	shalt  }
0x51: {  	_ =	shalt  }
0x52: {  	_ =	shalt  }
0x53: {  	_ =	shalt  }
0x54: {  	_ =	shalt  }
0x55: {  	_ =	shalt  }
0x56: {  	_ =	shalt  }
0x57: {  	_ =	shalt  }
0x58: {  	_ =	shalt  }
0x59: {  	_ =	shalt  }
0x5a: {  	_ =	shalt  }
0x5b: {  	_ =	shalt  }
0x5c: {  	_ =	shalt  }
0x5d: {  	_ =	shalt  }
0x5e: {  	_ =	shalt  }
0x5f: {  	_ =	shalt  }
0x60: {  	_ =	shalt  }
0x61: {  	_ =	shalt  }
0x62: {  	_ =	shalt  }
0x63: {  	_ =	shalt  }
0x64: {  	_ =	shalt  }
0x65: {  	_ =	shalt  }
0x66: {  	_ =	shalt  }
0x67: {  	_ =	shalt  }
0x68: {  	_ =	shalt  }
0x69: {  	_ =	shalt  }
0x6a: {  	_ =	shalt  }
0x6b: {  	_ =	shalt  }
0x6c: {  	_ =	shalt  }
0x6d: {  	_ =	shalt  }
0x6e: {  	_ =	shalt  }
0x6f: {  	_ =	shalt  }
0x70: {  	_ =	shalt  }
0x71: {  	_ =	shalt  }
0x72: {  	_ =	shalt  }
0x73: {  	_ =	shalt  }
0x74: {  	_ =	shalt  }
0x75: {  	_ =	shalt  }
0x76: {  	_ =	shalt  }
0x77: {  	_ =	shalt  }
0x78: {  	_ =	shalt  }
0x79: {  	_ =	shalt  }
0x7a: {  	_ =	shalt  }
0x7b: {  	_ =	shalt  }
0x7c: {  	_ =	shalt  }
0x7d: {  	_ =	shalt  }
0x7e: {  	_ =	shalt  }
0x7f: {  	_ =	shalt  }
0x80: {  	_ =	shalt  }
0x81: {  	_ =	shalt  }
0x82: {  	_ =	shalt  }
0x83: {  	_ =	shalt  }
0x84: {  	_ =	shalt  }
0x85: {  	_ =	shalt  }
0x86: {  	_ =	shalt  }
0x87: {  	_ =	shalt  }
.Lfunc_end0:
.L_simem_size_0:
called_computation.1_lowered:
.L_overlay_start_0:
0x88: {  	s2 =	sld [smem:$0x3FD9]  }
0x89: {  	s3 =	sld [smem:$0x3FFE];
	_ =	sdelay $0x1  }
0x8a: {  	s1 =	srdreg.scid  }
0x8b: {  	s0 =	sand.u32 $0x1, s1  }
0x8c: {  	s16 =	sshll.u32 s0, $0xA;
	s2 =	sadd.s32 s3, s2  }
0x8d: {  	s2 =	sadd.s32 s2, s16  }
0x8e: {  	[smem:$0x3FA6] =	sst s2  }
0x8f: {  	_ = 	snop  }
0x90: {  	(tm) =	ssettm $0x1  }
0x91: {  	s17 =	sld [smem:$0x3FFB];
	_ =	sdelay $0x3  }
0x92: {  	_ =	strace s17  }
0x93: {  	s2 =	sld [smem:$0x3FFC];
	_ =	sdelay $0x3  }
0x94: {  	_ =	strace s2  }
0x95: {  	s2 =	sld [smem:$0x3FFD];
	_ =	sdelay $0x3  }
0x96: {  	_ =	strace s2  }
0x97: {  	_ =	strace $0x8FFFFFFF  }
0x98: {  	s18 =	sld [smem:$0x3FDB];
	_ =	sdelay $0x1  }
0x99: {  	s19 =	simm.s32 $_scs_section_size  }
0x9a: {  	s4 =	simm.s32 $_size__tile_overlayer_lowered;
	s5 =	simm.s32 $_tile_overlayer_lowered  }
0x9b: {  	s22 =	simm.s32 $0x1BFF;
	s21 =	sshll.u32 s5, $0x1;
	s2 =	sadd.s32 s19, s18  }
0x9c: {  	s6 =	simm.s32 $0x0;
	s20 =	sshll.u32 s4, $0x1;
	s4 =	sadd.s32 s21, s2  }
0x9d: {  	[timem:s6], [sflag:s22] =	dma.local [hbm:s4], s20  }
0x9e: {  	_ =	swait.ge [sflag:s22], s20  }
0x9f: {  	s3 =	ssub.s32 $0x0, s20;
	[sflag:s22] =	ssyncset.done $0x0  }
0xa0: {  	[sflag:s22] =	ssyncadd.s32 s3;
	_ =	sdelay $0x1  }
0xa1: {  	s23 =	simm.s32 $0x1B8B  }
0xa2: {  	_ =	swait.ge [sflag:s23], $0x1  }
0xa3: {  	[sflag:s23] =	ssyncset.done $0x0  }
0xa4: {  	s25 =	simm.s32 $0x1B8E;
	s24 =	sld [smem:$0x3FFE];
	[sflag:s23] =	ssyncadd.s32 $0xFFFFFFFF  }
0xa5: {  	s26 =	simm.s32 $execute0_lowered;
	[smem:$0x3FD2] =	sst s25  }
0xa6: {  	s4 =	sshll.u32 s26, $0x1;
	_ =	strace $0x80000049;
	[dreg:$0x1] =	wrdreg $0xFFFFFFFF  }
0xa7: {  	s28 =	simm.s32 $_size_execute0_lowered;
	s2 =	sadd.s32 s2, s4;
	[dreg:$0x0] =	wrdreg $0x0  }
0xa8: {  	s4 =	sshll.u32 s28, $0x1;
	[dreg:$0x2] =	wrdreg s2  }
0xa9: {  	[dreg:$0x3] =	wrdreg s4  }
0xaa: {  	[dreg:$0x4] =	wrdreg $0xC0  }
0xab: {  	_ =	task [dreg:s6], $0x5FFFF  }
0xac: {  	[dreg:$0x1] =	wrdreg $0xFFFFFFFF  }
0xad: {  	[dreg:$0x0] =	wrdreg $0x60  }
0xae: {  	[dreg:$0x2] =	wrdreg s24  }
0xaf: {  	[dreg:$0x3] =	wrdreg $0x0  }
0xb0: {  	[dreg:$0x4] =	wrdreg $0x9  }
0xb1: {  	_ =	task.clear_ibuf [dreg:s6], $0x5FFFF;
	_ =	strace $0x90000049  }
0xb2: {  	s29 =	simm.s32 $0x9;
	_ =	strace $0x8000004B  }
0xb3: {  	_ =	swait.ge [sflag:s29], $0x1  }
0xb4: {  	[sflag:s29] =	ssyncadd.s32 $0xFFFFFFFF  }
0xb5: {  	_ =	strace $0x9000004B  }
0xb6: {  	_ =	sfence  }
0xb7: {  	s30 =	sld [smem:$0x0];
	_ =	sdelay $0x2  }
0xb8: {  	s31 =	sshll.u32 s1, $0xD;
	s1 =	sshrl.u32 s1, $0x2  }
0xb9: {  	s3 =	sand.u32 $0x4000, s31;
	s1 =	sadd.s32 s1, s30  }
0xba: {  	s0 =	sor.u32 s3, s0;
	s1 =	sshll.u32 s1, $0x11  }
0xbb: {  	s0 =	sor.u32 s1, s0  }
0xbc: {  	s0 =	sadd.s32 $0x8F2B, s0  }
0xbd: {  	[sflag:s0] =	ssyncadd.remote.s32 $0x1  }
0xbe: {  	_ =	sfence.sel $0xFFFF  }
0xbf: {  	[dreg:$0x0] =	wrdreg $0xFFFFFFFF;
	(pc) =	sbr.abs _section_cstart, $3  }
0xc0: {  	[dreg:$0x1] =	wrdreg $0xFFFFFFFF  }
0xc1: {  	_ =	task.clear_ibuf [dreg:s6], $0x2FFFF;
	_ =	strace $0x9FFFFFFF  }
0xc2: {  	(tm) =	ssettm $0x7FFFFFFF  }
0xc3: {  	_ =	shalt  }
tec
execute0_lowered:
.L_overlay_start_1:
0x0: {  	(tag) =	ssettag $0x1  }
0x1: {  	s0 =	rddreg [dreg:$0x0]  }
0x2: {  	s1 =	rddreg [dreg:$0x1];
	s2 =	srdreg.scid  }
0x3: {  	s3 =	simm.s32 $0x0;
	s14 =	stileid.u32;
	s28 =	simm.s32 $0x16080  }
0x4: {  	s30 =	simm.s32 $0x18980;
	s31 =	simm.s32 $0x16100;
	s29 =	simm.s32 $0x1  }
0x5: {  	s2 =	sand.u32 $0x1, s2;
	[smem:$0x7FF] =	sst s3;
	s10 =	smul.u32 $0x4E000, s14  }
0x6: {  	s7 =	sadd.s32 $0x6000, s0;
	s13 =	smul.u32 $0x13800, s14;
	p0 =	sne.s32 s14, $0xF  }
0x7: {  	s4 =	sshll.u32 s2, $0x4;
	_ =	strace $0x8000004A;
	s26 =	smul.u32 $0x138800, s2  }
0x8: {  	s8 =	ssub.s32 $0x2, s2;
	s2 =	smul.u32 $0x27100, s2;
	s5 =	sor.u32 s14, s4  }
0x9: {  	s4 =	sadd.s32 $0x1A800, s0;
	s9 =	sshrl.u32 s8, $0x1;
	s25 =	sshrl.u32 s10, $0x2  }
0xa: {  	s6 =	smul.u32 $0x2710, s5;
	s5 =	sadd.s32 $0x19A00, s0;
	s0 =	sadd.s32 $0x41A00, s0  }
0xb: {  	s8 =	ssub.s32 s8, s9;
	s12 =	sadd.s32 s25, s1;
	s9 =	sadd.s32 s13, s26  }
0xc: {  	s10 =	sshrl.u32 s26, $0x3;
	s13 =	smul.u32 $0x2710, s14;
	s16 =	sadd.s32 $0x6800, s12  }
0xd: {  	[dreg:$0x5] =	wrdreg s12;
	s12 =	sadd.s32 $0xD000, s12;
	s9 =	sshrl.u32 s9, $0x3  }
0xe: {  	s10 =	sadd.s32 s0, s10;
	s20 =	smax.u32 s8, $0x1;
	s6 =	sshrl.u32 s6, $0x3  }
0xf: {  	s0 =	sadd.s32 s0, s9;
	s19 =	sadd.s32 $0x27000, s10;
	[dreg:$0xa] =	wrdreg s20  }
0x10: {  	s22 =	sadd.s32 s13, s2;
	s26 =	sshrl.u32 s16, $0x3;
	[dreg:$0x8] =	wrdreg s0  }
0x11: {  	s10 =	simm.s32 $0x5;
	s6 =	sadd.s32 s7, s6;
	[dreg:$0x9] =	wrdreg s19  }
0x12: {  	s25 =	sadd.s32 $0x4E3E0, s22;
	s0 =	sadd.s32 $0x4E390, s22;
	[dreg:$0xd] =	wrdreg s26  }
0x13: {  	s26 =	simm.s32 $0x16180;
	s24 =	sadd.s32 $0x9C40, s6;
	s11 =	sadd.s32 $0x9C4A, s6  }
0x14: {  	s15 =	sadd.s32 $0x9C54, s6;
	s21 =	sadd.s32 $0x9C5E, s6;
	[dreg:$0x3] =	wrdreg s24  }
0x15: {  	s23 =	sadd.s32 $0x9C68, s6;
	s8 =	sshrl.u32 s25, $0x3;
	[dreg:$0x4] =	wrdreg s11  }
0x16: {  	s0 =	sshrl.u32 s0, $0x3;
	s25 =	sshrl.u32 s12, $0x3;
	[dreg:$0x6] =	wrdreg s15  }
0x17: {  	s12 =	simm.s32 $0x0;
	s15 =	sadd.s32 $0x138000, s1;
	[dreg:$0xb] =	wrdreg s21  }
0x18: {  	[dreg:$0xc] =	wrdreg s23;
	s24 =	sadd.s32 $0x4E430, s22;
	s18 =	sadd.s32 s8, s7  }
0x19: {  	s19 =	sadd.s32 s0, s7;
	s21 =	simm.s32 $0x8;
	s22 =	simm.s32 $0x16000  }
0x1a: {  	s23 =	simm.s32 $0x50;
	s0 =	simm.s32 $0x2;
	s8 =	simm.s32 $0x3  }
0x1b: {  	s11 =	simm.s32 $0x6;
	[dreg:$0x7] =	wrdreg s15;
	s2 =	sshrl.u32 s24, $0x3  }
0x1c: {  	s17 =	sadd.s32 s2, s7;
	s2 =	simm.s32 $0x1B180;
	s7 =	simm.s32 $0x4  }
.LBB2_1:
0x1d: {  	s13 =	simm.s32 $0x13880  }
0x1e: {  	[tilespmem:s13], [sflag:$0x8] =	stream.linear.gather [hbm4b:s6+s3], $0x2710, $0x38;
	[tilespmem:$0x1D980] =	vst v63  }
0x1f: {  	_ =	swait.ge [sflag:s21], $0x2710  }
0x20: {  	[sflag:s21] =	ssyncset.done $0x0  }
0x21: {  	s9 =	rddreg [dreg:$0x3];
	[sflag:s21] =	ssyncadd.s32 $0xFFFFD8F0  }
0x22: {  	[tilespmem:s22], [sflag:$0x1] =	stream.linear.gather [hbm4b:s9+s3], $0x50, $0x38;
	[tilespmem:$0x1D980] =	vst v63  }
0x23: {  	_ = 	snop  }
0x24: {  	[tilespmem:s26], [sflag:$0x1] =	stream.indirect.gather [hbm4b:s4+s23], $0x80, s13, s23, $0xb8;
	[tilespmem:$0x1D980] =	vst v63  }
0x25: {  	s13 =	rddreg [dreg:$0x4]  }
0x26: {  	[tilespmem:s28], [sflag:$0x2] =	stream.linear.gather [hbm4b:s13+s3], $0x50, $0x38;
	[tilespmem:$0x1D980] =	vst v63  }
0x27: {  	s14 =	simm.s32 $0x138D0;
	s20 =	stileid.u32;
	s15 =	rddreg [dreg:$0x6]  }
0x28: {  	[tilespmem:s30], [sflag:$0x2] =	stream.indirect.gather [hbm4b:s4+s23], $0x80, s14, s23, $0xb8;
	[tilespmem:$0x1D980] =	vst v63  }
0x29: {  	s13 =	sshll.u32 s20, $0x6;
	s14 =	rddreg [dreg:$0x5]  }
0x2a: {  	[tilespmem:s31], [sflag:$0x3] =	stream.linear.gather [hbm4b:s15+s3], $0x50, $0x38;
	[tilespmem:$0x1D980] =	vst v63  }
0x2b: {  	s16 =	simm.s32 $0x13920;
	s9 =	sor.u32 $0x1C07, s13;
	s14 =	sshrl.u32 s14, $0x3  }
0x2c: {  	[tilespmem:s2], [sflag:$0x3] =	stream.indirect.gather [hbm4b:s4+s23], $0x80, s16, s23, $0xb8;
	[tilespmem:$0x1D980] =	vst v63  }
0x2d: {  	[spmem:s14], [sflag:s9] =	dma.local [hbm:s5], $0xD00  }
0x2e: {  	s15 =	rddreg [dreg:$0xd]  }
0x2f: {  	[spmem:s15], [sflag:s9] =	dma.local [hbm:s5], $0xD00  }
0x30: {  	s15 =	simm.s32 @p0 $0x7  }
0x31: {  	[spmem:s25], [sflag:s9] =	dma.local [hbm:s5], $0xD00  }
0x32: {  	_ =	swait.ge @p0 [sflag:s15], $0xD00  }
0x33: {  	[sflag:s15] =	ssyncset.done @p0 $0x0  }
0x34: {  	[sflag:s15] =	ssyncadd.s32 @p0 $0xFFFFF300  }
0x35: {  	_ =	swait.ge @p0 [sflag:s15], $0xD00  }
0x36: {  	[sflag:s15] =	ssyncset.done @p0 $0x0  }
0x37: {  	[sflag:s15] =	ssyncadd.s32 @p0 $0xFFFFF300  }
0x38: {  	_ =	swait.ge @p0 [sflag:s15], $0xD00  }
0x39: {  	[sflag:s15] =	ssyncset.done @p0 $0x0  }
0x3a: {  	[sflag:s15] =	ssyncadd.s32 @p0 $0xFFFFF300;
	s15 =	rddreg [dreg:$0x7]  }
0x3b: {  	s15 =	sshrl.u32 @!p0 s15, $0x3  }
0x3c: {  	[spmem:s15], [sflag:s9] =	dma.local @!p0 [hbm:s5], $0x100  }
0x3d: {  	s9 =	simm.s32 @!p0 $0x7  }
0x3e: {  	_ =	swait.ge @!p0 [sflag:s9], $0xD00  }
0x3f: {  	[sflag:s9] =	ssyncset.done @!p0 $0x0  }
0x40: {  	[sflag:s9] =	ssyncadd.s32 @!p0 $0xFFFFF300  }
0x41: {  	_ =	swait.ge @!p0 [sflag:s9], $0xD00  }
0x42: {  	[sflag:s9] =	ssyncset.done @!p0 $0x0  }
0x43: {  	[sflag:s9] =	ssyncadd.s32 @!p0 $0xFFFFF300  }
0x44: {  	_ =	swait.ge @!p0 [sflag:s9], $0xD00  }
0x45: {  	[sflag:s9] =	ssyncset.done @!p0 $0x0  }
0x46: {  	[sflag:s9] =	ssyncadd.s32 @!p0 $0xFFFFF300  }
0x47: {  	_ =	swait.ge @!p0 [sflag:s9], $0x100  }
0x48: {  	[sflag:s9] =	ssyncset.done @!p0 $0x0  }
0x49: {  	[sflag:s9] =	ssyncadd.s32 @!p0 $0xFFFFFF00  }
0x4a: {  	[bflag:$0x0] =	sbarrier.arrive $0xFFFF  }
0x4b: {  	_ =	swait.ge [sflag:s29], $0x50  }
0x4c: {  	[sflag:s29] =	ssyncset.done $0x0  }
0x4d: {  	[sflag:s29] =	ssyncadd.s32 $0xFFFFFFB0  }
0x4e: {  	_ =	swait.ge [sflag:s29], $0x2800  }
0x4f: {  	[sflag:s29] =	ssyncset.done $0x0  }
0x50: {  	[sflag:s29] =	ssyncadd.s32 $0xFFFFD800  }
0x51: {  	[spmem:s1] =	stream.indirect.scatter.add.f32 [tilespmem:s26], [sflag:$0x4], $0x80, s22, s23, $0xb8;
	[tilespmem:$0x1D980] =	vst v63  }
0x52: {  	_ =	swait.ge [sflag:s0], $0x50  }
0x53: {  	[sflag:s0] =	ssyncset.done $0x0  }
0x54: {  	[sflag:s0] =	ssyncadd.s32 $0xFFFFFFB0  }
0x55: {  	_ =	swait.ge [sflag:s0], $0x2800  }
0x56: {  	[sflag:s0] =	ssyncset.done $0x0  }
0x57: {  	[sflag:s0] =	ssyncadd.s32 $0xFFFFD800  }
0x58: {  	_ =	swait.ge [sflag:s7], $0x2800  }
0x59: {  	[sflag:s7] =	ssyncset.done $0x0  }
0x5a: {  	s24 =	rddreg [dreg:$0xb];
	[sflag:s7] =	ssyncadd.s32 $0xFFFFD800  }
0x5b: {  	[tilespmem:s22], [sflag:$0x1] =	stream.linear.gather [hbm4b:s24+s3], $0x50, $0x38;
	[tilespmem:$0x1D980] =	vst v63  }
0x5c: {  	s16 =	simm.s32 $0x13970  }
0x5d: {  	[tilespmem:s26], [sflag:$0x1] =	stream.indirect.gather [hbm4b:s4+s23], $0x80, s16, s23, $0xb8;
	[tilespmem:$0x1D980] =	vst v63  }
0x5e: {  	_ = 	snop  }
0x5f: {  	[spmem:s1] =	stream.indirect.scatter.add.f32 [tilespmem:s30], [sflag:$0x5], $0x80, s28, s23, $0xb8;
	[tilespmem:$0x1D980] =	vst v63  }
0x60: {  	_ =	swait.ge [sflag:s8], $0x50  }
0x61: {  	[sflag:s8] =	ssyncset.done $0x0  }
0x62: {  	[sflag:s8] =	ssyncadd.s32 $0xFFFFFFB0  }
0x63: {  	_ =	swait.ge [sflag:s8], $0x2800  }
0x64: {  	[sflag:s8] =	ssyncset.done $0x0  }
0x65: {  	[sflag:s8] =	ssyncadd.s32 $0xFFFFD800  }
0x66: {  	_ =	swait.ge [sflag:s10], $0x2800  }
0x67: {  	[sflag:s10] =	ssyncset.done $0x0  }
0x68: {  	s20 =	rddreg [dreg:$0xc];
	[sflag:s10] =	ssyncadd.s32 $0xFFFFD800  }
0x69: {  	[tilespmem:s28], [sflag:$0x2] =	stream.linear.gather [hbm4b:s20+s3], $0x50, $0x38;
	[tilespmem:$0x1D980] =	vst v63  }
0x6a: {  	s24 =	simm.s32 $0x139C0  }
0x6b: {  	[tilespmem:s30], [sflag:$0x2] =	stream.indirect.gather [hbm4b:s4+s23], $0x80, s24, s23, $0xb8;
	[tilespmem:$0x1D980] =	vst v63  }
0x6c: {  	_ = 	snop  }
0x6d: {  	[spmem:s1] =	stream.indirect.scatter.add.f32 [tilespmem:s2], [sflag:$0x6], $0x80, s31, s23, $0xb8;
	[tilespmem:$0x1D980] =	vst v63  }
0x6e: {  	_ =	swait.ge [sflag:s29], $0x50  }
0x6f: {  	[sflag:s29] =	ssyncset.done $0x0  }
0x70: {  	[sflag:s29] =	ssyncadd.s32 $0xFFFFFFB0  }
0x71: {  	_ =	swait.ge [sflag:s29], $0x2800  }
0x72: {  	[sflag:s29] =	ssyncset.done $0x0  }
0x73: {  	[sflag:s29] =	ssyncadd.s32 $0xFFFFD800  }
0x74: {  	_ =	swait.ge [sflag:s11], $0x2800  }
0x75: {  	[sflag:s11] =	ssyncset.done $0x0  }
0x76: {  	s16 =	sadd.s32 $0x0, s19;
	[sflag:s11] =	ssyncadd.s32 $0xFFFFD800  }
0x77: {  	[tilespmem:s31], [sflag:$0x3] =	stream.linear.gather [hbm4b:s16+s3], $0x50, $0x38;
	[tilespmem:$0x1D980] =	vst v63  }
0x78: {  	s20 =	simm.s32 $0x13A10  }
0x79: {  	[tilespmem:s2], [sflag:$0x3] =	stream.indirect.gather [hbm4b:s4+s23], $0x80, s20, s23, $0xb8;
	[tilespmem:$0x1D980] =	vst v63  }
0x7a: {  	_ = 	snop  }
0x7b: {  	[spmem:s1] =	stream.indirect.scatter.add.f32 [tilespmem:s26], [sflag:$0x4], $0x80, s22, s23, $0xb8;
	[tilespmem:$0x1D980] =	vst v63  }
0x7c: {  	_ =	swait.ge [sflag:s0], $0x50  }
0x7d: {  	[sflag:s0] =	ssyncset.done $0x0  }
0x7e: {  	[sflag:s0] =	ssyncadd.s32 $0xFFFFFFB0  }
0x7f: {  	_ =	swait.ge [sflag:s0], $0x2800  }
0x80: {  	[sflag:s0] =	ssyncset.done $0x0  }
0x81: {  	[sflag:s0] =	ssyncadd.s32 $0xFFFFD800  }
0x82: {  	_ =	swait.ge [sflag:s7], $0x2800  }
0x83: {  	[sflag:s7] =	ssyncset.done $0x0  }
0x84: {  	s24 =	sadd.s32 $0x0, s18;
	[sflag:s7] =	ssyncadd.s32 $0xFFFFD800  }
0x85: {  	[tilespmem:s22], [sflag:$0x1] =	stream.linear.gather [hbm4b:s24+s3], $0x50, $0x38;
	[tilespmem:$0x1D980] =	vst v63  }
0x86: {  	s16 =	simm.s32 $0x13A60  }
0x87: {  	[tilespmem:s26], [sflag:$0x1] =	stream.indirect.gather [hbm4b:s4+s23], $0x80, s16, s23, $0xb8;
	[tilespmem:$0x1D980] =	vst v63  }
0x88: {  	_ = 	snop  }
0x89: {  	[spmem:s1] =	stream.indirect.scatter.add.f32 [tilespmem:s30], [sflag:$0x5], $0x80, s28, s23, $0xb8;
	[tilespmem:$0x1D980] =	vst v63  }
0x8a: {  	_ =	swait.ge [sflag:s8], $0x50  }
0x8b: {  	[sflag:s8] =	ssyncset.done $0x0  }
0x8c: {  	[sflag:s8] =	ssyncadd.s32 $0xFFFFFFB0  }
0x8d: {  	_ =	swait.ge [sflag:s8], $0x2800  }
0x8e: {  	[sflag:s8] =	ssyncset.done $0x0  }
0x8f: {  	[sflag:s8] =	ssyncadd.s32 $0xFFFFD800  }
0x90: {  	_ =	swait.ge [sflag:s10], $0x2800  }
0x91: {  	[sflag:s10] =	ssyncset.done $0x0  }
0x92: {  	s20 =	sadd.s32 $0x0, s17;
	[sflag:s10] =	ssyncadd.s32 $0xFFFFD800  }
0x93: {  	[tilespmem:s28], [sflag:$0x2] =	stream.linear.gather [hbm4b:s20+s3], $0x50, $0x38;
	[tilespmem:$0x1D980] =	vst v63  }
0x94: {  	s9 =	simm.s32 $0x13BA0;
	s24 =	simm.s32 $0x13AB0;
	s16 =	simm.s32 $0x1E  }
0x95: {  	[tilespmem:s30], [sflag:$0x2] =	stream.indirect.gather [hbm4b:s4+s23], $0x80, s24, s23, $0xb8;
	[tilespmem:$0x1D980] =	vst v63  }
.LBB2_2:
0x96: {  	[spmem:s1] =	stream.indirect.scatter.add.f32 [tilespmem:s2], [sflag:$0x6], $0x80, s31, s23, $0xb8;
	[tilespmem:$0x1D980] =	vst v63  }
0x97: {  	s20 =	smov.u32 s16  }
0x98: {  	p1 =	sne.s32 s16, $0x492;
	s16 =	sadd.s32 $0x1E, s16;
	_ =	swait.ge [sflag:s29], $0x50  }
0x99: {  	[sflag:s29] =	ssyncset.done $0x0  }
0x9a: {  	[sflag:s29] =	ssyncadd.s32 $0xFFFFFFB0  }
0x9b: {  	_ =	swait.ge [sflag:s29], $0x2800  }
0x9c: {  	[sflag:s29] =	ssyncset.done $0x0  }
0x9d: {  	[sflag:s29] =	ssyncadd.s32 $0xFFFFD800  }
0x9e: {  	_ =	swait.ge [sflag:s11], $0x2800  }
0x9f: {  	[sflag:s11] =	ssyncset.done $0x0  }
0xa0: {  	s24 =	sadd.s32 s20, s19;
	[sflag:s11] =	ssyncadd.s32 $0xFFFFD800  }
0xa1: {  	[tilespmem:s31], [sflag:$0x3] =	stream.linear.gather [hbm4b:s24+s3], $0x50, $0x38;
	[tilespmem:$0x1D980] =	vst v63  }
0xa2: {  	s24 =	sadd.s32 $0xFFFFFF60, s9  }
0xa3: {  	[tilespmem:s2], [sflag:$0x3] =	stream.indirect.gather [hbm4b:s4+s23], $0x80, s24, s23, $0xb8;
	[tilespmem:$0x1D980] =	vst v63  }
0xa4: {  	_ = 	snop  }
0xa5: {  	[spmem:s1] =	stream.indirect.scatter.add.f32 [tilespmem:s26], [sflag:$0x4], $0x80, s22, s23, $0xb8;
	[tilespmem:$0x1D980] =	vst v63  }
0xa6: {  	_ =	swait.ge [sflag:s0], $0x50  }
0xa7: {  	[sflag:s0] =	ssyncset.done $0x0  }
0xa8: {  	[sflag:s0] =	ssyncadd.s32 $0xFFFFFFB0  }
0xa9: {  	_ =	swait.ge [sflag:s0], $0x2800  }
0xaa: {  	[sflag:s0] =	ssyncset.done $0x0  }
0xab: {  	[sflag:s0] =	ssyncadd.s32 $0xFFFFD800  }
0xac: {  	_ =	swait.ge [sflag:s7], $0x2800  }
0xad: {  	[sflag:s7] =	ssyncset.done $0x0  }
0xae: {  	s24 =	sadd.s32 s20, s18;
	[sflag:s7] =	ssyncadd.s32 $0xFFFFD800  }
0xaf: {  	[tilespmem:s22], [sflag:$0x1] =	stream.linear.gather [hbm4b:s24+s3], $0x50, $0x38;
	[tilespmem:$0x1D980] =	vst v63  }
0xb0: {  	s24 =	sadd.s32 $0xFFFFFFB0, s9  }
0xb1: {  	[tilespmem:s26], [sflag:$0x1] =	stream.indirect.gather [hbm4b:s4+s23], $0x80, s24, s23, $0xb8;
	[tilespmem:$0x1D980] =	vst v63  }
0xb2: {  	_ = 	snop  }
0xb3: {  	[spmem:s1] =	stream.indirect.scatter.add.f32 [tilespmem:s30], [sflag:$0x5], $0x80, s28, s23, $0xb8;
	[tilespmem:$0x1D980] =	vst v63  }
0xb4: {  	_ =	swait.ge [sflag:s8], $0x50  }
0xb5: {  	[sflag:s8] =	ssyncset.done $0x0  }
0xb6: {  	[sflag:s8] =	ssyncadd.s32 $0xFFFFFFB0  }
0xb7: {  	_ =	swait.ge [sflag:s8], $0x2800  }
0xb8: {  	[sflag:s8] =	ssyncset.done $0x0  }
0xb9: {  	[sflag:s8] =	ssyncadd.s32 $0xFFFFD800  }
0xba: {  	_ =	swait.ge [sflag:s10], $0x2800  }
0xbb: {  	[sflag:s10] =	ssyncset.done $0x0  }
.Ltmp0:
0xbc: {  	s20 =	sadd.s32 s20, s17;
	[sflag:s10] =	ssyncadd.s32 $0xFFFFD800;
	(pc) =	sbr.rel @p1 .LBB2_2-.Ltmp0, $4  }
0xbd: {  	[tilespmem:s28], [sflag:$0x2] =	stream.linear.gather [hbm4b:s20+s3], $0x50, $0x38;
	[tilespmem:$0x1D980] =	vst v63  }
0xbe: {  	_ = 	snop  }
0xbf: {  	[tilespmem:s30], [sflag:$0x2] =	stream.indirect.gather [hbm4b:s4+s23], $0x80, s9, s23, $0xb8;
	[tilespmem:$0x1D980] =	vst v63  }
0xc0: {  	s9 =	sadd.s32 $0xF0, s9  }
0xc1: {  	[spmem:s1] =	stream.indirect.scatter.add.f32 [tilespmem:s2], [sflag:$0x6], $0x80, s31, s23, $0xb8;
	[tilespmem:$0x1D980] =	vst v63  }
0xc2: {  	_ =	swait.ge [sflag:s29], $0x50  }
0xc3: {  	[sflag:s29] =	ssyncset.done $0x0  }
0xc4: {  	[sflag:s29] =	ssyncadd.s32 $0xFFFFFFB0  }
0xc5: {  	_ =	swait.ge [sflag:s29], $0x2800  }
0xc6: {  	[sflag:s29] =	ssyncset.done $0x0  }
0xc7: {  	[sflag:s29] =	ssyncadd.s32 $0xFFFFD800  }
0xc8: {  	_ =	swait.ge [sflag:s11], $0x2800  }
0xc9: {  	[sflag:s11] =	ssyncset.done $0x0  }
0xca: {  	[sflag:s11] =	ssyncadd.s32 $0xFFFFD800  }
0xcb: {  	[spmem:s1] =	stream.indirect.scatter.add.f32 [tilespmem:s26], [sflag:$0x4], $0x80, s22, s23, $0xb8;
	[tilespmem:$0x1D980] =	vst v63  }
0xcc: {  	_ =	swait.ge [sflag:s0], $0x50  }
0xcd: {  	[sflag:s0] =	ssyncset.done $0x0  }
0xce: {  	[sflag:s0] =	ssyncadd.s32 $0xFFFFFFB0  }
0xcf: {  	_ =	swait.ge [sflag:s0], $0x2800  }
0xd0: {  	[sflag:s0] =	ssyncset.done $0x0  }
0xd1: {  	[sflag:s0] =	ssyncadd.s32 $0xFFFFD800  }
0xd2: {  	_ =	swait.ge [sflag:s7], $0x2800  }
0xd3: {  	[sflag:s7] =	ssyncset.done $0x0  }
0xd4: {  	[sflag:s7] =	ssyncadd.s32 $0xFFFFD800  }
0xd5: {  	[spmem:s1] =	stream.indirect.scatter.add.f32 [tilespmem:s30], [sflag:$0x5], $0x80, s28, s23, $0xb8;
	[tilespmem:$0x1D980] =	vst v63  }
0xd6: {  	_ =	swait.ge [sflag:s10], $0x2800  }
0xd7: {  	[sflag:s10] =	ssyncset.done $0x0  }
0xd8: {  	[sflag:s10] =	ssyncadd.s32 $0xFFFFD800  }
0xd9: {  	[bflag:$0x0] =	sbarrier.arrive $0xFFFF  }
0xda: {  	s9 =	sor.u32 $0x1C08, s13;
	s20 =	rddreg [dreg:$0x8]  }
0xdb: {  	[hbm:s20], [sflag:s9] =	dma.local [spmem:s14], $0x2700  }
0xdc: {  	_ =	swait.ge [sflag:s21], $0x2700  }
0xdd: {  	[sflag:s21] =	ssyncset.done $0x0  }
0xde: {  	s13 =	rddreg [dreg:$0x9];
	[sflag:s21] =	ssyncadd.s32 $0xFFFFD900  }
0xdf: {  	[hbm:s13], [sflag:s9] =	dma.local @!p0 [spmem:s15], $0x100  }
0xe0: {  	s9 =	simm.s32 @!p0 $0x8  }
0xe1: {  	_ =	swait.ge @!p0 [sflag:s9], $0x100  }
0xe2: {  	s12 =	sadd.s32 $0x1, s12;
	s24 =	rddreg [dreg:$0xa]  }
0xe3: {  	p1 =	sne.s32 s12, s24  }
.Ltmp1:
0xe4: {  	_ = 	snop;
	(pc) =	sbr.rel @p1 .LBB2_1-.Ltmp1, $3  }
0xe5: {  	_ =	sdelay $0x1  }
0xe6: {  	[sflag:s9] =	ssyncset.done @!p0 $0x0  }
0xe7: {  	[sflag:s9] =	ssyncadd.s32 @!p0 $0xFFFFFF00  }
0xe8: {  	_ =	sfence.sel $0x180000  }
0xe9: {  	[bflag:$0x0] =	sbarrier.arrive $0xFFFF  }
0xea: {  	_ =	strace $0x9000004A  }
0xeb: {  	s0 =	stileid.u32;
	[bflag:$0x2] =	sbarrier.arrive $0xFFFF  }
0xec: {  	p0 =	sne.s32 s0, $0x0;
	s0 =	rddreg [dreg:$0x2]  }
0xed: {  	s0 =	sadd.s32 @!p0 $0x100000, s0  }
0xee: {  	[sflag:s0] =	ssyncadd.tile.s32 @!p0 $0x1;
	_ =	shalt  }
.Lfunc_end2:
_tile_overlayer_lowered:
.L_overlay_start_2:
0xef: {  	(tag) =	ssettag $0x2  }
0xf0: {  	s0 =	rddreg [dreg:$0x0];
	s2 =	stileid.u32  }
0xf1: {  	s1 =	rddreg [dreg:$0x1];
	p0 =	sne.s32 s2, $0x0  }
0xf2: {  	s3 =	rddreg [dreg:$0x2];
	[bflag:$0x3] =	sbarrier.arrive $0xFFFF;
	s2 =	simm.s32 @!p0 $0x1C08  }
0xf3: {  	[timem:s3], [sflag:s2] =	dma.local @!p0 [hbm:s0], s1  }
0xf4: {  	s0 =	simm.s32 @!p0 $0x8  }
0xf5: {  	_ =	swait.ge @!p0 [sflag:s0], s1  }
0xf6: {  	s1 =	ssub.s32 @!p0 $0x0, s1;
	[sflag:s0] =	ssyncset.done @!p0 $0x0  }
0xf7: {  	[sflag:s0] =	ssyncadd.s32 @!p0 s1  }
0xf8: {  	[bflag:$0x3] =	sbarrier.arrive $0xFFFF  }
0xf9: {  	_ =	shalt  }

</sc_bundles>
